<compile_context>
chip_gen: v7x
topology: tpu7x:2x2x1
jax: 0.10.2.dev20260603
libtpu: 0.0.44.dev20260713+nightly
codegen_flags: <defaults>
</compile_context>

<pallas_src>
import functools

import jax
import jax.numpy as jnp
from jax import lax
from jax.experimental import pallas as pl
from jax.experimental.pallas import tpu as pltpu
from jax.experimental.pallas import tpu_sc as plsc

N_NODES = 10000
N_PAD = 10240
H = 128
NSEG = 64
NC = 2
NS = 16
CH = 128
RPS = N_PAD // NS
BR = 1280
DEGW = 128

_f32 = jnp.float32
FRAC0 = 0.605
FRACD = 0.536
DEGO = 16
SUB = 1280 // 128



def _sc_mesh():
    return plsc.VectorSubcoreMesh(core_axis_name="c", subcore_axis_name="s")


@functools.cache
def _build_agg(K, kf, ks):

    @functools.partial(
        pl.kernel,
        mesh=_sc_mesh(),
        out_type=jax.ShapeDtypeStruct((NC, N_PAD, H), _f32),
        scratch_types=[
            pltpu.VMEM((K, CH), jnp.int32),
            pltpu.VMEM((K, CH), jnp.int32),
            pltpu.VMEM((CH, H), _f32),
            pltpu.VMEM_SHARED((N_PAD, H), _f32),
            pltpu.SemaphoreType.DMA,
        ],
    )
    def agg(y_hbm, src_hbm, dst_hbm, z_hbm, out_hbm, src_v, dst_v, rows_v,
            acc_sh, sem):
        c = lax.axis_index("c")
        s = lax.axis_index("s")
        pltpu.sync_copy(src_hbm.at[c, s], src_v)
        pltpu.sync_copy(dst_hbm.at[c, s], dst_v)
        pltpu.sync_copy(z_hbm.at[pl.ds(s * RPS, RPS)],
                        acc_sh.at[pl.ds(s * RPS, RPS)])
        plsc.subcore_barrier()

        def body(j, carry):
            pltpu.async_copy(y_hbm.at[src_v.at[j]], rows_v, sem).wait()
            pltpu.sync_copy(rows_v, acc_sh.at[dst_v.at[j]], add=True)
            return carry

        kc = jnp.where(c == 0, kf, ks)
        lax.fori_loop(0, kc, body, 0)
        plsc.subcore_barrier()
        pltpu.sync_copy(acc_sh.at[pl.ds(s * RPS, RPS)],
                        out_hbm.at[c, pl.ds(s * RPS, RPS)])

    return agg


@functools.cache
def _build_deg(K, kf, ks):

    @functools.partial(
        pl.kernel,
        mesh=_sc_mesh(),
        out_type=jax.ShapeDtypeStruct((NC, N_PAD, DEGW), _f32),
        scratch_types=[
            pltpu.VMEM((K, CH), jnp.int32),
            pltpu.VMEM((CH, DEGW), _f32),
            pltpu.VMEM_SHARED((N_PAD, DEGW), _f32),
        ],
    )
    def deg(dst_hbm, ones_hbm, z_hbm, out_hbm, dst_v, ones_v, deg_sh):
        c = lax.axis_index("c")
        s = lax.axis_index("s")
        pltpu.sync_copy(dst_hbm.at[c, s], dst_v)
        pltpu.sync_copy(ones_hbm, ones_v)
        pltpu.sync_copy(z_hbm.at[pl.ds(s * RPS, RPS)],
                        deg_sh.at[pl.ds(s * RPS, RPS)])
        plsc.subcore_barrier()

        def body(j, carry):
            pltpu.sync_copy(ones_v, deg_sh.at[dst_v.at[j]], add=True)
            return carry

        kc = jnp.where(c == 0, kf, ks)
        lax.fori_loop(0, kc, body, 0)
        plsc.subcore_barrier()
        pltpu.sync_copy(deg_sh.at[pl.ds(s * RPS, RPS)],
                        out_hbm.at[c, pl.ds(s * RPS, RPS)])

    return deg



def _dinv_of(deg_blk):
    return lax.rsqrt(deg_blk[0, :, 0:1] + deg_blk[1, :, 0:1] + 1.0)


def _prep_body(x_ref, w_ref, deg_ref, y_ref):
    dinv = _dinv_of(deg_ref[...])
    y_ref[...] = jnp.dot(x_ref[...], w_ref[...],
                         preferred_element_type=_f32) * dinv


def _tc_prep(xpad, w, deg2):
    grid = N_PAD // BR
    return pl.pallas_call(
        _prep_body,
        grid=(grid,),
        in_specs=[
            pl.BlockSpec((BR, H), lambda i: (i, 0)),
            pl.BlockSpec((H, H), lambda i: (0, 0)),
            pl.BlockSpec((NC, BR, DEGO), lambda i: (0, i, 0)),
        ],
        out_specs=pl.BlockSpec((BR, H), lambda i: (i, 0)),
        out_shape=jax.ShapeDtypeStruct((N_PAD, H), _f32),
    )(xpad, w, deg2)


def _mid_body(acc_ref, y_ref, deg_ref, b_ref, w_ref, x_ref, ynext_ref):
    dinv = _dinv_of(deg_ref[...])
    acc = acc_ref[0] + acc_ref[1] + y_ref[...]
    xk = jnp.maximum(dinv * acc + b_ref[...], 0.0)
    row = pl.program_id(0) * BR + lax.broadcasted_iota(jnp.int32, (BR, 1), 0)
    xk = jnp.where(row < N_NODES, xk, 0.0)
    x_ref[...] = xk
    ynext_ref[...] = jnp.dot(xk, w_ref[...],
                             preferred_element_type=_f32) * dinv


def _mid_last_body(acc_ref, y_ref, deg_ref, b_ref, x_ref):
    dinv = _dinv_of(deg_ref[...])
    acc = acc_ref[0] + acc_ref[1] + y_ref[...]
    xk = jnp.maximum(dinv * acc + b_ref[...], 0.0)
    row = pl.program_id(0) * BR + lax.broadcasted_iota(jnp.int32, (BR, 1), 0)
    x_ref[...] = jnp.where(row < N_NODES, xk, 0.0)


def _tc_mid(acc2, y, deg2, b, w_next):
    grid = N_PAD // BR
    specs = [
        pl.BlockSpec((NC, BR, H), lambda i: (0, i, 0)),
        pl.BlockSpec((BR, H), lambda i: (i, 0)),
        pl.BlockSpec((NC, BR, DEGO), lambda i: (0, i, 0)),
        pl.BlockSpec((1, H), lambda i: (0, 0)),
    ]
    if w_next is None:
        return pl.pallas_call(
            _mid_last_body,
            grid=(grid,),
            in_specs=specs,
            out_specs=pl.BlockSpec((BR, H), lambda i: (i, 0)),
            out_shape=jax.ShapeDtypeStruct((N_PAD, H), _f32),
        )(acc2, y, deg2, b.reshape(1, H))
    return pl.pallas_call(
        _mid_body,
        grid=(grid,),
        in_specs=specs + [pl.BlockSpec((H, H), lambda i: (0, 0))],
        out_specs=[pl.BlockSpec((BR, H), lambda i: (i, 0)),
                   pl.BlockSpec((BR, H), lambda i: (i, 0))],
        out_shape=[jax.ShapeDtypeStruct((N_PAD, H), _f32),
                   jax.ShapeDtypeStruct((N_PAD, H), _f32)],
    )(acc2, y, deg2, b.reshape(1, H), w_next)


def _pool_body(b3_ref, x1_ref, x2_ref, x3_ref, wl1_ref, bl1_ref, wl2_ref,
               bl2_ref, out_ref, sums, cnts):
    i = pl.program_id(0)

    @pl.when(i == 0)
    def _init():
        sums[...] = jnp.zeros_like(sums)
        cnts[...] = jnp.zeros_like(cnts)

    bv = b3_ref[...]
    x1a, x2a, x3a = x1_ref[...], x2_ref[...], x3_ref[...]
    seg = lax.broadcasted_iota(jnp.int32, (NSEG, CH), 0)
    for j in range(SUB):
        oh = (seg == bv[j]).astype(_f32)
        sl = slice(j * CH, (j + 1) * CH)
        xj = jnp.concatenate([x1a[sl], x2a[sl], x3a[sl]], axis=1)
        sums[...] += jnp.dot(oh, xj, preferred_element_type=_f32)
        cnts[...] += oh

    @pl.when(i == N_PAD // BR - 1)
    def _fin():
        cnt = jnp.sum(cnts[...], axis=1, keepdims=True)
        pooled = sums[...] / jnp.maximum(cnt, 1.0)
        h = jnp.maximum(
            jnp.dot(pooled, wl1_ref[...], preferred_element_type=_f32)
            + bl1_ref[...], 0.0)
        o = (jnp.dot(h, wl2_ref[...], preferred_element_type=_f32)
             + bl2_ref[...])
        m = jnp.max(o, axis=1, keepdims=True)
        lse = m + jnp.log(jnp.sum(jnp.exp(o - m), axis=1, keepdims=True))
        out_ref[...] = o - lse


def _tc_pool(batch3, x1, x2, x3, wl1, bl1, wl2, bl2):
    grid = N_PAD // BR
    nclass = wl2.shape[1]
    return pl.pallas_call(
        _pool_body,
        grid=(grid,),
        in_specs=[
            pl.BlockSpec((SUB, 1, CH), lambda i: (i, 0, 0)),
            pl.BlockSpec((BR, H), lambda i: (i, 0)),
            pl.BlockSpec((BR, H), lambda i: (i, 0)),
            pl.BlockSpec((BR, H), lambda i: (i, 0)),
            pl.BlockSpec((3 * H, H), lambda i: (0, 0)),
            pl.BlockSpec((1, H), lambda i: (0, 0)),
            pl.BlockSpec((H, nclass), lambda i: (0, 0)),
            pl.BlockSpec((1, nclass), lambda i: (0, 0)),
        ],
        out_specs=pl.BlockSpec((NSEG, nclass), lambda i: (0, 0)),
        out_shape=jax.ShapeDtypeStruct((NSEG, nclass), _f32),
        scratch_shapes=[pltpu.VMEM((NSEG, 3 * H), _f32),
                        pltpu.VMEM((NSEG, CH), _f32)],
    )(batch3, x1, x2, x3, wl1, bl1.reshape(1, H), wl2,
      bl2.reshape(1, nclass))



def kernel(x, edge_index, batch, target_size, W1, b1, W2, b2, W3, b3,
           Wl1, bl1, Wl2, bl2):
    E = edge_index.shape[1]
    per = NS * CH

    def _plan(frac, unit=None, mult=1):
        u = unit or per
        kf = -(-int(frac * E) // u)
        kf = -(-kf // mult) * mult
        ks = -(-(E - u * kf) // u)
        ks = -(-ks // mult) * mult
        return max(kf, ks), kf, ks

    def _split(ids, plan, unit=None, ch=CH):
        K, kf, ks = plan
        u = unit or per
        ids = jnp.concatenate(
            [ids, jnp.full((u * (kf + ks) - E,), N_NODES, jnp.int32)])
        p0 = jnp.pad(ids[:u * kf].reshape(NS, kf, ch),
                     ((0, 0), (0, K - kf), (0, 0)),
                     constant_values=N_NODES)
        p1 = jnp.pad(ids[u * kf:].reshape(NS, ks, ch),
                     ((0, 0), (0, K - ks), (0, 0)),
                     constant_values=N_NODES)
        return jnp.stack([p0, p1])

    plan_a = _plan(FRAC0)
    plan_d = _plan(FRACD)
    src_r = _split(edge_index[0], plan_a)
    dst_r = _split(edge_index[1], plan_a)
    dst_d = _split(edge_index[1], plan_d)

    xpad = jnp.zeros((N_PAD, H), _f32).at[:N_NODES].set(x)
    zeros_h = jnp.zeros((N_PAD, H), _f32)
    ones_d = jnp.ones((CH, DEGW), _f32)
    batch3 = jnp.concatenate(
        [batch.astype(jnp.int32),
         jnp.full((N_PAD - N_NODES,), NSEG, jnp.int32)]).reshape(
             N_PAD // CH, 1, CH)

    agg = _build_agg(*plan_a)
    deg = _build_deg(*plan_d)

    deg2 = deg(dst_d, ones_d, zeros_h)[:, :, :DEGO]
    y1 = _tc_prep(xpad, W1, deg2)
    acc1 = agg(y1, src_r, dst_r, zeros_h)
    x1, y2 = _tc_mid(acc1, y1, deg2, b1, W2)
    acc2 = agg(y2, src_r, dst_r, zeros_h)
    x2, y3 = _tc_mid(acc2, y2, deg2, b2, W3)
    acc3 = agg(y3, src_r, dst_r, zeros_h)
    x3 = _tc_mid(acc3, y3, deg2, b3, None)
    return _tc_pool(batch3, x1, x2, x3, Wl1, bl1, Wl2, bl2)

# --- scband reference (transcript-rebuilt; emitter-appended) ---
"""Pipeline reference for scband-gcnwith-jk-11055245820055 (READ-ONLY COPY).

The authoritative reference and input builder live on the scoring server;
editing this copy changes nothing except your own understanding.
"""

import jax, jax.numpy as jnp
import numpy as np


def gcn_conv(x, edge_index, W, b):
    # PyG GCNConv: add self loops, symmetric deg^{-1/2} normalization, then X W aggregation
    N = x.shape[0]
    loops = jnp.arange(N, dtype=edge_index.dtype)
    src = jnp.concatenate([edge_index[0], loops])
    dst = jnp.concatenate([edge_index[1], loops])
    deg = jnp.zeros((N,), dtype=x.dtype).at[dst].add(1.0)
    dinv = jnp.where(deg > 0, jax.lax.rsqrt(jnp.maximum(deg, 1e-12)), 0.0)
    norm = dinv[src] * dinv[dst]
    xw = x @ W
    msg = xw[src] * norm[:, None]
    out = jnp.zeros_like(xw).at[dst].add(msg)
    return out + b


def global_mean_pool(x, batch, size):
    num_segments = 64
    sums = jax.ops.segment_sum(x, batch, num_segments=num_segments)
    cnts = jax.ops.segment_sum(jnp.ones((x.shape[0],), dtype=x.dtype), batch, num_segments=num_segments)
    out = sums / jnp.maximum(cnts, 1.0)[:, None]
    return out + jnp.asarray(size, dtype=x.dtype) * 0


def setup_inputs(seed: int = 0):
    key = jax.random.key(seed)
    ks = jax.random.split(key, 16)
    N, E, F, H, C, G = 10000, 320000, 128, 128, 32, 64
    x = jax.random.normal(ks[0], (N, F), dtype=jnp.float32)
    edge_index = jax.random.randint(ks[1], (2, E), 0, N, dtype=jnp.int32)
    batch = jnp.sort(jax.random.randint(ks[2], (N,), 0, G, dtype=jnp.int32))
    target_size = G
    s = 0.05
    W1 = jax.random.normal(ks[3], (F, H), dtype=jnp.float32) * s
    b1 = jnp.zeros((H,), dtype=jnp.float32)
    W2 = jax.random.normal(ks[4], (H, H), dtype=jnp.float32) * s
    b2 = jnp.zeros((H,), dtype=jnp.float32)
    W3 = jax.random.normal(ks[5], (H, H), dtype=jnp.float32) * s
    b3 = jnp.zeros((H,), dtype=jnp.float32)
    Wl1 = jax.random.normal(ks[6], (3 * H, H), dtype=jnp.float32) * s
    bl1 = jnp.zeros((H,), dtype=jnp.float32)
    Wl2 = jax.random.normal(ks[7], (H, C), dtype=jnp.float32) * s
    bl2 = jnp.zeros((C,), dtype=jnp.float32)
    return {"x": x, "edge_index": edge_index, "batch": batch, "target_size": target_size,
            "W1": W1, "b1": b1, "W2": W2, "b2": b2, "W3": W3, "b3": b3,
            "Wl1": Wl1, "bl1": bl1, "Wl2": Wl2, "bl2": bl2}


def reference(x, edge_index, batch, target_size, W1, b1, W2, b2, W3, b3, Wl1, bl1, Wl2, bl2):
    x1 = jax.nn.relu(gcn_conv(x, edge_index, W1, b1))
    x2 = jax.nn.relu(gcn_conv(x1, edge_index, W2, b2))
    x3 = jax.nn.relu(gcn_conv(x2, edge_index, W3, b3))
    xj = jnp.concatenate([x1, x2, x3], axis=-1)  # JumpingKnowledge mode='cat'
    pooled = global_mean_pool(xj, batch, target_size)
    h = jax.nn.relu(pooled @ Wl1 + bl1)
    # dropout is identity in eval mode
    out = h @ Wl2 + bl2
    return jax.nn.log_softmax(out, axis=-1)

if __name__ == "__main__":
    import jax
    _d = setup_inputs()
    print(jax.jit(kernel)(*tuple(_d.values())))

</pallas_src>

<mosaic_0001>
#map = affine_map<(d0, d1) -> (0, 0)>
#map1 = affine_map<(d0, d1) -> (0, 0, 0, 0)>
#map2 = affine_map<(d0, d1) -> (0, 0, 0)>
module attributes {stable_mosaic.version = 14 : i64} {
  func.func @agg(%arg0: i32, %arg1: i32, %arg2: memref<10240x128xf32, #tpu.memory_space<hbm>>, %arg3: memref<2x16x95x128xi32, #tpu.memory_space<hbm>>, %arg4: memref<2x16x95x128xi32, #tpu.memory_space<hbm>>, %arg5: memref<10240x128xf32, #tpu.memory_space<hbm>>, %arg6: memref<2x10240x128xf32, #tpu.memory_space<hbm>>, %arg7: memref<95x128xi32, #tpu.memory_space<vmem>>, %arg8: memref<95x128xi32, #tpu.memory_space<vmem>>, %arg9: memref<128x128xf32, #tpu.memory_space<vmem>>, %arg10: memref<10240x128xf32, #tpu.memory_space<vmem_shared>>, %arg11: memref<!tpu.dma_semaphore, #tpu.memory_space<semaphore_mem>>) attributes {dimension_semantics = [#tpu.dimension_semantics<core_parallel>, #tpu.dimension_semantics<subcore_parallel>], iteration_bounds = array<i64: 2, 16>, scalar_prefetch = 0 : i64, scratch_operands = 5 : i64, tpu.core_type = #tpu.core_type<sc_vector_subcore>, window_params = [{transform_indices = #map}, {transform_indices = #map1}, {transform_indices = #map1}, {transform_indices = #map}, {transform_indices = #map2}]} {
    "tpu.region"() ({
      %run_scoped3A = tpu.sem_alloc : memref<!tpu.dma_semaphore, #tpu.memory_space<semaphore_mem>>
      %dma_start3A = arith.constant 0 : i32
      %dma_start3A_19 = arith.constant 0 : i32
      %dma_start3A_20 = tpu.memref_slice %arg3[%arg0, %arg1, %dma_start3A, %dma_start3A_19] : memref<2x16x95x128xi32, #tpu.memory_space<hbm>> -> memref<1x1x95x128xi32, #tpu.memory_space<hbm>>
      %dma_start3A_21 = tpu.memref_squeeze %dma_start3A_20 : memref<1x1x95x128xi32, #tpu.memory_space<hbm>> -> memref<95x128xi32, #tpu.memory_space<hbm>>
      %dma_start3A_22 = arith.constant 0 : i32
      %dma_start3A_23 = arith.constant 0 : i32
      %dma_start3A_24 = tpu.memref_slice %arg3[%arg0, %arg1, %dma_start3A_22, %dma_start3A_23] : memref<2x16x95x128xi32, #tpu.memory_space<hbm>> -> memref<1x1x95x128xi32, #tpu.memory_space<hbm>>
      %dma_start3A_25 = tpu.memref_squeeze %dma_start3A_24 : memref<1x1x95x128xi32, #tpu.memory_space<hbm>> -> memref<95x128xi32, #tpu.memory_space<hbm>>
      tpu.enqueue_dma source(%dma_start3A_25 : memref<95x128xi32, #tpu.memory_space<hbm>>) target(%arg7 : memref<95x128xi32, #tpu.memory_space<vmem>>) target_semaphore(%run_scoped3A : memref<!tpu.dma_semaphore, #tpu.memory_space<semaphore_mem>>)
      %dma_wait3A = arith.constant 0 : i32
      %dma_wait3A_26 = arith.constant 0 : i32
      %dma_wait3A_27 = tpu.memref_slice %arg3[%arg0, %arg1, %dma_wait3A, %dma_wait3A_26] : memref<2x16x95x128xi32, #tpu.memory_space<hbm>> -> memref<1x1x95x128xi32, #tpu.memory_space<hbm>>
      %dma_wait3A_28 = tpu.memref_squeeze %dma_wait3A_27 : memref<1x1x95x128xi32, #tpu.memory_space<hbm>> -> memref<95x128xi32, #tpu.memory_space<hbm>>
      %dma_wait3A_29 = arith.constant 0 : i32
      %dma_wait3A_30 = arith.constant 0 : i32
      %dma_wait3A_31 = tpu.memref_slice %arg3[%arg0, %arg1, %dma_wait3A_29, %dma_wait3A_30] : memref<2x16x95x128xi32, #tpu.memory_space<hbm>> -> memref<1x1x95x128xi32, #tpu.memory_space<hbm>>
      %dma_wait3A_32 = tpu.memref_squeeze %dma_wait3A_31 : memref<1x1x95x128xi32, #tpu.memory_space<hbm>> -> memref<95x128xi32, #tpu.memory_space<hbm>>
      tpu.wait_dma2 semaphore(%run_scoped3A : memref<!tpu.dma_semaphore, #tpu.memory_space<semaphore_mem>>) src(%dma_wait3A_32 : memref<95x128xi32, #tpu.memory_space<hbm>>) dst(%arg7 : memref<95x128xi32, #tpu.memory_space<vmem>>)
      tpu.yield
    }) : () -> ()
    "tpu.region"() ({
      %run_scoped3A = tpu.sem_alloc : memref<!tpu.dma_semaphore, #tpu.memory_space<semaphore_mem>>
      %dma_start3A = arith.constant 0 : i32
      %dma_start3A_19 = arith.constant 0 : i32
      %dma_start3A_20 = tpu.memref_slice %arg4[%arg0, %arg1, %dma_start3A, %dma_start3A_19] : memref<2x16x95x128xi32, #tpu.memory_space<hbm>> -> memref<1x1x95x128xi32, #tpu.memory_space<hbm>>
      %dma_start3A_21 = tpu.memref_squeeze %dma_start3A_20 : memref<1x1x95x128xi32, #tpu.memory_space<hbm>> -> memref<95x128xi32, #tpu.memory_space<hbm>>
      %dma_start3A_22 = arith.constant 0 : i32
      %dma_start3A_23 = arith.constant 0 : i32
      %dma_start3A_24 = tpu.memref_slice %arg4[%arg0, %arg1, %dma_start3A_22, %dma_start3A_23] : memref<2x16x95x128xi32, #tpu.memory_space<hbm>> -> memref<1x1x95x128xi32, #tpu.memory_space<hbm>>
      %dma_start3A_25 = tpu.memref_squeeze %dma_start3A_24 : memref<1x1x95x128xi32, #tpu.memory_space<hbm>> -> memref<95x128xi32, #tpu.memory_space<hbm>>
      tpu.enqueue_dma source(%dma_start3A_25 : memref<95x128xi32, #tpu.memory_space<hbm>>) target(%arg8 : memref<95x128xi32, #tpu.memory_space<vmem>>) target_semaphore(%run_scoped3A : memref<!tpu.dma_semaphore, #tpu.memory_space<semaphore_mem>>)
      %dma_wait3A = arith.constant 0 : i32
      %dma_wait3A_26 = arith.constant 0 : i32
      %dma_wait3A_27 = tpu.memref_slice %arg4[%arg0, %arg1, %dma_wait3A, %dma_wait3A_26] : memref<2x16x95x128xi32, #tpu.memory_space<hbm>> -> memref<1x1x95x128xi32, #tpu.memory_space<hbm>>
      %dma_wait3A_28 = tpu.memref_squeeze %dma_wait3A_27 : memref<1x1x95x128xi32, #tpu.memory_space<hbm>> -> memref<95x128xi32, #tpu.memory_space<hbm>>
      %dma_wait3A_29 = arith.constant 0 : i32
      %dma_wait3A_30 = arith.constant 0 : i32
      %dma_wait3A_31 = tpu.memref_slice %arg4[%arg0, %arg1, %dma_wait3A_29, %dma_wait3A_30] : memref<2x16x95x128xi32, #tpu.memory_space<hbm>> -> memref<1x1x95x128xi32, #tpu.memory_space<hbm>>
      %dma_wait3A_32 = tpu.memref_squeeze %dma_wait3A_31 : memref<1x1x95x128xi32, #tpu.memory_space<hbm>> -> memref<95x128xi32, #tpu.memory_space<hbm>>
      tpu.wait_dma2 semaphore(%run_scoped3A : memref<!tpu.dma_semaphore, #tpu.memory_space<semaphore_mem>>) src(%dma_wait3A_32 : memref<95x128xi32, #tpu.memory_space<hbm>>) dst(%arg8 : memref<95x128xi32, #tpu.memory_space<vmem>>)
      tpu.yield
    }) : () -> ()
    %mul3A = arith.constant 640 : i32
    %mul3A_0 = arith.muli %arg1, %mul3A : i32
    %mul3A_1 = arith.constant 640 : i32
    %mul3A_2 = arith.muli %arg1, %mul3A_1 : i32
    "tpu.region"() ({
      %run_scoped3A = tpu.sem_alloc : memref<!tpu.dma_semaphore, #tpu.memory_space<semaphore_mem>>
      %dma_start3A = arith.constant 0 : i32
      %dma_start3A_19 = tpu.memref_slice %arg10[%mul3A_2, %dma_start3A] : memref<10240x128xf32, #tpu.memory_space<vmem_shared>> -> memref<640x128xf32, #tpu.memory_space<vmem_shared>>
      %dma_start3A_20 = arith.constant 0 : i32
      %dma_start3A_21 = tpu.memref_slice %arg5[%mul3A_0, %dma_start3A_20] : memref<10240x128xf32, #tpu.memory_space<hbm>> -> memref<640x128xf32, #tpu.memory_space<hbm>>
      tpu.enqueue_dma source(%dma_start3A_21 : memref<640x128xf32, #tpu.memory_space<hbm>>) target(%dma_start3A_19 : memref<640x128xf32, #tpu.memory_space<vmem_shared>>) target_semaphore(%run_scoped3A : memref<!tpu.dma_semaphore, #tpu.memory_space<semaphore_mem>>)
      %dma_wait3A = arith.constant 0 : i32
      %dma_wait3A_22 = tpu.memref_slice %arg10[%mul3A_2, %dma_wait3A] : memref<10240x128xf32, #tpu.memory_space<vmem_shared>> -> memref<640x128xf32, #tpu.memory_space<vmem_shared>>
      %dma_wait3A_23 = arith.constant 0 : i32
      %dma_wait3A_24 = tpu.memref_slice %arg5[%mul3A_0, %dma_wait3A_23] : memref<10240x128xf32, #tpu.memory_space<hbm>> -> memref<640x128xf32, #tpu.memory_space<hbm>>
      tpu.wait_dma2 semaphore(%run_scoped3A : memref<!tpu.dma_semaphore, #tpu.memory_space<semaphore_mem>>) src(%dma_wait3A_24 : memref<640x128xf32, #tpu.memory_space<hbm>>) dst(%dma_wait3A_22 : memref<640x128xf32, #tpu.memory_space<vmem_shared>>)
      tpu.yield
    }) : () -> ()
    %barrier3A = arith.constant 0 : index
    tpu.barrier barrier_id(%barrier3A)
    %eq3A = arith.constant 0 : i32
    %eq3A_3 = arith.cmpi eq, %arg0, %eq3A : i32
    %jit3A = arith.constant 95 : i32
    %jit3A_4 = arith.constant 62 : i32
    %select_n3A = arith.select %eq3A_3, %jit3A, %jit3A_4 : i32
    %while3A = arith.constant 0 : i32
    %while3A_5 = arith.constant 0 : i32
    %while3A_6 = arith.subi %select_n3A, %while3A_5 : i32
    %while3A_7 = arith.addi %while3A_5, %while3A_6 : i32
    %while3A_8 = arith.constant 1 : i32
    %while3A_9 = arith.divsi %while3A_6, %while3A_8 : i32
    %while3A_10 = arith.muli %while3A_9, %while3A_8 : i32
    %while3A_11 = arith.addi %while3A_5, %while3A_10 : i32
    %while3A_12 = arith.constant 1 : i32
    scf.for %while3A_19 = %while3A_5 to %while3A_11 step %while3A_12  : i32 {
      %dma_start3A = arith.constant 0 : i32
      %dma_start3A_20 = tpu.memref_slice %arg7[%while3A_19, %dma_start3A] : memref<95x128xi32, #tpu.memory_space<vmem>> -> memref<1x128xi32, #tpu.memory_space<vmem>>
      %dma_start3A_21 = tpu.memref_squeeze %dma_start3A_20 : memref<1x128xi32, #tpu.memory_space<vmem>> -> memref<128xi32, #tpu.memory_space<vmem>>
      %dma_start3A_22 = arith.constant 0 : i32
      %dma_start3A_23 = arith.constant 0 : i32
      %dma_start3A_24 = tpu.memref_slice %arg2[%dma_start3A_22, %dma_start3A_23] : memref<10240x128xf32, #tpu.memory_space<hbm>> -> memref<10240x128xf32, #tpu.memory_space<hbm>>
      tpu.enqueue_indirect_dma source(%dma_start3A_24 : memref<10240x128xf32, #tpu.memory_space<hbm>>) target(%arg9 : memref<128x128xf32, #tpu.memory_space<vmem>>) offsets(%dma_start3A_21 : memref<128xi32, #tpu.memory_space<vmem>>) semaphore(%arg11 : memref<!tpu.dma_semaphore, #tpu.memory_space<semaphore_mem>>)
      %dma_wait3A = arith.constant 0 : i32
      %dma_wait3A_25 = tpu.memref_slice %arg7[%while3A_19, %dma_wait3A] : memref<95x128xi32, #tpu.memory_space<vmem>> -> memref<1x128xi32, #tpu.memory_space<vmem>>
      %dma_wait3A_26 = tpu.memref_squeeze %dma_wait3A_25 : memref<1x128xi32, #tpu.memory_space<vmem>> -> memref<128xi32, #tpu.memory_space<vmem>>
      %dma_wait3A_27 = arith.constant 0 : i32
      %dma_wait3A_28 = arith.constant 0 : i32
      %dma_wait3A_29 = tpu.memref_slice %arg2[%dma_wait3A_27, %dma_wait3A_28] : memref<10240x128xf32, #tpu.memory_space<hbm>> -> memref<10240x128xf32, #tpu.memory_space<hbm>>
      tpu.wait_indirect_dma semaphore(%arg11 : memref<!tpu.dma_semaphore, #tpu.memory_space<semaphore_mem>>) src(%dma_wait3A_29 : memref<10240x128xf32, #tpu.memory_space<hbm>>) dst(%arg9 : memref<128x128xf32, #tpu.memory_space<vmem>>)
      "tpu.region"() ({
        %run_scoped3A = tpu.sem_alloc : memref<!tpu.dma_semaphore, #tpu.memory_space<semaphore_mem>>
        %dma_start3A_30 = arith.constant 0 : i32
        %dma_start3A_31 = tpu.memref_slice %arg8[%while3A_19, %dma_start3A_30] : memref<95x128xi32, #tpu.memory_space<vmem>> -> memref<1x128xi32, #tpu.memory_space<vmem>>
        %dma_start3A_32 = tpu.memref_squeeze %dma_start3A_31 : memref<1x128xi32, #tpu.memory_space<vmem>> -> memref<128xi32, #tpu.memory_space<vmem>>
        %dma_start3A_33 = arith.constant 0 : i32
        %dma_start3A_34 = arith.constant 0 : i32
        %dma_start3A_35 = tpu.memref_slice %arg10[%dma_start3A_33, %dma_start3A_34] : memref<10240x128xf32, #tpu.memory_space<vmem_shared>> -> memref<10240x128xf32, #tpu.memory_space<vmem_shared>>
        tpu.enqueue_indirect_dma source(%arg9 : memref<128x128xf32, #tpu.memory_space<vmem>>) target(%dma_start3A_35 : memref<10240x128xf32, #tpu.memory_space<vmem_shared>>) offsets(%dma_start3A_32 : memref<128xi32, #tpu.memory_space<vmem>>) semaphore(%run_scoped3A : memref<!tpu.dma_semaphore, #tpu.memory_space<semaphore_mem>>) {add = true}
        %dma_wait3A_36 = arith.constant 0 : i32
        %dma_wait3A_37 = tpu.memref_slice %arg8[%while3A_19, %dma_wait3A_36] : memref<95x128xi32, #tpu.memory_space<vmem>> -> memref<1x128xi32, #tpu.memory_space<vmem>>
        %dma_wait3A_38 = tpu.memref_squeeze %dma_wait3A_37 : memref<1x128xi32, #tpu.memory_space<vmem>> -> memref<128xi32, #tpu.memory_space<vmem>>
        %dma_wait3A_39 = arith.constant 0 : i32
        %dma_wait3A_40 = arith.constant 0 : i32
        %dma_wait3A_41 = tpu.memref_slice %arg10[%dma_wait3A_39, %dma_wait3A_40] : memref<10240x128xf32, #tpu.memory_space<vmem_shared>> -> memref<10240x128xf32, #tpu.memory_space<vmem_shared>>
        tpu.wait_indirect_dma semaphore(%run_scoped3A : memref<!tpu.dma_semaphore, #tpu.memory_space<semaphore_mem>>) src(%arg9 : memref<128x128xf32, #tpu.memory_space<vmem>>) dst(%dma_wait3A_41 : memref<10240x128xf32, #tpu.memory_space<vmem_shared>>)
        tpu.yield
      }) : () -> ()
    }
    %while3A_13 = arith.constant 1 : i32
    scf.for %while3A_19 = %while3A_11 to %while3A_7 step %while3A_13  : i32 {
      %dma_start3A = arith.constant 0 : i32
      %dma_start3A_20 = tpu.memref_slice %arg7[%while3A_19, %dma_start3A] : memref<95x128xi32, #tpu.memory_space<vmem>> -> memref<1x128xi32, #tpu.memory_space<vmem>>
      %dma_start3A_21 = tpu.memref_squeeze %dma_start3A_20 : memref<1x128xi32, #tpu.memory_space<vmem>> -> memref<128xi32, #tpu.memory_space<vmem>>
      %dma_start3A_22 = arith.constant 0 : i32
      %dma_start3A_23 = arith.constant 0 : i32
      %dma_start3A_24 = tpu.memref_slice %arg2[%dma_start3A_22, %dma_start3A_23] : memref<10240x128xf32, #tpu.memory_space<hbm>> -> memref<10240x128xf32, #tpu.memory_space<hbm>>
      tpu.enqueue_indirect_dma source(%dma_start3A_24 : memref<10240x128xf32, #tpu.memory_space<hbm>>) target(%arg9 : memref<128x128xf32, #tpu.memory_space<vmem>>) offsets(%dma_start3A_21 : memref<128xi32, #tpu.memory_space<vmem>>) semaphore(%arg11 : memref<!tpu.dma_semaphore, #tpu.memory_space<semaphore_mem>>)
      %dma_wait3A = arith.constant 0 : i32
      %dma_wait3A_25 = tpu.memref_slice %arg7[%while3A_19, %dma_wait3A] : memref<95x128xi32, #tpu.memory_space<vmem>> -> memref<1x128xi32, #tpu.memory_space<vmem>>
      %dma_wait3A_26 = tpu.memref_squeeze %dma_wait3A_25 : memref<1x128xi32, #tpu.memory_space<vmem>> -> memref<128xi32, #tpu.memory_space<vmem>>
      %dma_wait3A_27 = arith.constant 0 : i32
      %dma_wait3A_28 = arith.constant 0 : i32
      %dma_wait3A_29 = tpu.memref_slice %arg2[%dma_wait3A_27, %dma_wait3A_28] : memref<10240x128xf32, #tpu.memory_space<hbm>> -> memref<10240x128xf32, #tpu.memory_space<hbm>>
      tpu.wait_indirect_dma semaphore(%arg11 : memref<!tpu.dma_semaphore, #tpu.memory_space<semaphore_mem>>) src(%dma_wait3A_29 : memref<10240x128xf32, #tpu.memory_space<hbm>>) dst(%arg9 : memref<128x128xf32, #tpu.memory_space<vmem>>)
      "tpu.region"() ({
        %run_scoped3A = tpu.sem_alloc : memref<!tpu.dma_semaphore, #tpu.memory_space<semaphore_mem>>
        %dma_start3A_30 = arith.constant 0 : i32
        %dma_start3A_31 = tpu.memref_slice %arg8[%while3A_19, %dma_start3A_30] : memref<95x128xi32, #tpu.memory_space<vmem>> -> memref<1x128xi32, #tpu.memory_space<vmem>>
        %dma_start3A_32 = tpu.memref_squeeze %dma_start3A_31 : memref<1x128xi32, #tpu.memory_space<vmem>> -> memref<128xi32, #tpu.memory_space<vmem>>
        %dma_start3A_33 = arith.constant 0 : i32
        %dma_start3A_34 = arith.constant 0 : i32
        %dma_start3A_35 = tpu.memref_slice %arg10[%dma_start3A_33, %dma_start3A_34] : memref<10240x128xf32, #tpu.memory_space<vmem_shared>> -> memref<10240x128xf32, #tpu.memory_space<vmem_shared>>
        tpu.enqueue_indirect_dma source(%arg9 : memref<128x128xf32, #tpu.memory_space<vmem>>) target(%dma_start3A_35 : memref<10240x128xf32, #tpu.memory_space<vmem_shared>>) offsets(%dma_start3A_32 : memref<128xi32, #tpu.memory_space<vmem>>) semaphore(%run_scoped3A : memref<!tpu.dma_semaphore, #tpu.memory_space<semaphore_mem>>) {add = true}
        %dma_wait3A_36 = arith.constant 0 : i32
        %dma_wait3A_37 = tpu.memref_slice %arg8[%while3A_19, %dma_wait3A_36] : memref<95x128xi32, #tpu.memory_space<vmem>> -> memref<1x128xi32, #tpu.memory_space<vmem>>
        %dma_wait3A_38 = tpu.memref_squeeze %dma_wait3A_37 : memref<1x128xi32, #tpu.memory_space<vmem>> -> memref<128xi32, #tpu.memory_space<vmem>>
        %dma_wait3A_39 = arith.constant 0 : i32
        %dma_wait3A_40 = arith.constant 0 : i32
        %dma_wait3A_41 = tpu.memref_slice %arg10[%dma_wait3A_39, %dma_wait3A_40] : memref<10240x128xf32, #tpu.memory_space<vmem_shared>> -> memref<10240x128xf32, #tpu.memory_space<vmem_shared>>
        tpu.wait_indirect_dma semaphore(%run_scoped3A : memref<!tpu.dma_semaphore, #tpu.memory_space<semaphore_mem>>) src(%arg9 : memref<128x128xf32, #tpu.memory_space<vmem>>) dst(%dma_wait3A_41 : memref<10240x128xf32, #tpu.memory_space<vmem_shared>>)
        tpu.yield
      }) : () -> ()
    }
    %barrier3A_14 = arith.constant 0 : index
    tpu.barrier barrier_id(%barrier3A_14)
    %mul3A_15 = arith.constant 640 : i32
    %mul3A_16 = arith.muli %arg1, %mul3A_15 : i32
    %mul3A_17 = arith.constant 640 : i32
    %mul3A_18 = arith.muli %arg1, %mul3A_17 : i32
    "tpu.region"() ({
      %run_scoped3A = tpu.sem_alloc : memref<!tpu.dma_semaphore, #tpu.memory_space<semaphore_mem>>
      %dma_start3A = arith.constant 0 : i32
      %dma_start3A_19 = tpu.memref_slice %arg6[%arg0, %mul3A_18, %dma_start3A] : memref<2x10240x128xf32, #tpu.memory_space<hbm>> -> memref<1x640x128xf32, #tpu.memory_space<hbm>>
      %dma_start3A_20 = tpu.memref_squeeze %dma_start3A_19 : memref<1x640x128xf32, #tpu.memory_space<hbm>> -> memref<640x128xf32, #tpu.memory_space<hbm>>
      %dma_start3A_21 = arith.constant 0 : i32
      %dma_start3A_22 = tpu.memref_slice %arg10[%mul3A_16, %dma_start3A_21] : memref<10240x128xf32, #tpu.memory_space<vmem_shared>> -> memref<640x128xf32, #tpu.memory_space<vmem_shared>>
      tpu.enqueue_dma source(%dma_start3A_22 : memref<640x128xf32, #tpu.memory_space<vmem_shared>>) target(%dma_start3A_20 : memref<640x128xf32, #tpu.memory_space<hbm>>) target_semaphore(%run_scoped3A : memref<!tpu.dma_semaphore, #tpu.memory_space<semaphore_mem>>)
      %dma_wait3A = arith.constant 0 : i32
      %dma_wait3A_23 = tpu.memref_slice %arg6[%arg0, %mul3A_18, %dma_wait3A] : memref<2x10240x128xf32, #tpu.memory_space<hbm>> -> memref<1x640x128xf32, #tpu.memory_space<hbm>>
      %dma_wait3A_24 = tpu.memref_squeeze %dma_wait3A_23 : memref<1x640x128xf32, #tpu.memory_space<hbm>> -> memref<640x128xf32, #tpu.memory_space<hbm>>
      %dma_wait3A_25 = arith.constant 0 : i32
      %dma_wait3A_26 = tpu.memref_slice %arg10[%mul3A_16, %dma_wait3A_25] : memref<10240x128xf32, #tpu.memory_space<vmem_shared>> -> memref<640x128xf32, #tpu.memory_space<vmem_shared>>
      tpu.wait_dma2 semaphore(%run_scoped3A : memref<!tpu.dma_semaphore, #tpu.memory_space<semaphore_mem>>) src(%dma_wait3A_26 : memref<640x128xf32, #tpu.memory_space<vmem_shared>>) dst(%dma_wait3A_24 : memref<640x128xf32, #tpu.memory_space<hbm>>)
      tpu.yield
    }) : () -> ()
    return
  }
}

#map = affine_map<(d0, d1) -> (0, 0)>
#map1 = affine_map<(d0, d1) -> (0, 0, 0, 0)>
#map2 = affine_map<(d0, d1) -> (0, 0, 0)>
module attributes {stable_mosaic.version = 14 : i64} {
  func.func @agg(%arg0: i32, %arg1: i32, %arg2: memref<10240x128xf32, #tpu.memory_space<hbm>>, %arg3: memref<2x16x95x128xi32, #tpu.memory_space<hbm>>, %arg4: memref<2x16x95x128xi32, #tpu.memory_space<hbm>>, %arg5: memref<10240x128xf32, #tpu.memory_space<hbm>>, %arg6: memref<2x10240x128xf32, #tpu.memory_space<hbm>>, %arg7: memref<95x128xi32, #tpu.memory_space<vmem>>, %arg8: memref<95x128xi32, #tpu.memory_space<vmem>>, %arg9: memref<128x128xf32, #tpu.memory_space<vmem>>, %arg10: memref<10240x128xf32, #tpu.memory_space<vmem_shared>>, %arg11: memref<!tpu.dma_semaphore, #tpu.memory_space<semaphore_mem>>) attributes {dimension_semantics = [#tpu.dimension_semantics<core_parallel>, #tpu.dimension_semantics<subcore_parallel>], iteration_bounds = array<i64: 2, 16>, scalar_prefetch = 0 : i64, scratch_operands = 5 : i64, tpu.core_type = #tpu.core_type<sc_vector_subcore>, window_params = [{transform_indices = #map}, {transform_indices = #map1}, {transform_indices = #map1}, {transform_indices = #map}, {transform_indices = #map2}]} {
    "tpu.region"() ({
      %run_scoped3A = tpu.sem_alloc : memref<!tpu.dma_semaphore, #tpu.memory_space<semaphore_mem>>
      %dma_start3A = arith.constant 0 : i32
      %dma_start3A_19 = arith.constant 0 : i32
      %dma_start3A_20 = tpu.memref_slice %arg3[%arg0, %arg1, %dma_start3A, %dma_start3A_19] : memref<2x16x95x128xi32, #tpu.memory_space<hbm>> -> memref<1x1x95x128xi32, #tpu.memory_space<hbm>>
      %dma_start3A_21 = tpu.memref_squeeze %dma_start3A_20 : memref<1x1x95x128xi32, #tpu.memory_space<hbm>> -> memref<95x128xi32, #tpu.memory_space<hbm>>
      %dma_start3A_22 = arith.constant 0 : i32
      %dma_start3A_23 = arith.constant 0 : i32
      %dma_start3A_24 = tpu.memref_slice %arg3[%arg0, %arg1, %dma_start3A_22, %dma_start3A_23] : memref<2x16x95x128xi32, #tpu.memory_space<hbm>> -> memref<1x1x95x128xi32, #tpu.memory_space<hbm>>
      %dma_start3A_25 = tpu.memref_squeeze %dma_start3A_24 : memref<1x1x95x128xi32, #tpu.memory_space<hbm>> -> memref<95x128xi32, #tpu.memory_space<hbm>>
      tpu.enqueue_dma source(%dma_start3A_25 : memref<95x128xi32, #tpu.memory_space<hbm>>) target(%arg7 : memref<95x128xi32, #tpu.memory_space<vmem>>) target_semaphore(%run_scoped3A : memref<!tpu.dma_semaphore, #tpu.memory_space<semaphore_mem>>)
      %dma_wait3A = arith.constant 0 : i32
      %dma_wait3A_26 = arith.constant 0 : i32
      %dma_wait3A_27 = tpu.memref_slice %arg3[%arg0, %arg1, %dma_wait3A, %dma_wait3A_26] : memref<2x16x95x128xi32, #tpu.memory_space<hbm>> -> memref<1x1x95x128xi32, #tpu.memory_space<hbm>>
      %dma_wait3A_28 = tpu.memref_squeeze %dma_wait3A_27 : memref<1x1x95x128xi32, #tpu.memory_space<hbm>> -> memref<95x128xi32, #tpu.memory_space<hbm>>
      %dma_wait3A_29 = arith.constant 0 : i32
      %dma_wait3A_30 = arith.constant 0 : i32
      %dma_wait3A_31 = tpu.memref_slice %arg3[%arg0, %arg1, %dma_wait3A_29, %dma_wait3A_30] : memref<2x16x95x128xi32, #tpu.memory_space<hbm>> -> memref<1x1x95x128xi32, #tpu.memory_space<hbm>>
      %dma_wait3A_32 = tpu.memref_squeeze %dma_wait3A_31 : memref<1x1x95x128xi32, #tpu.memory_space<hbm>> -> memref<95x128xi32, #tpu.memory_space<hbm>>
      tpu.wait_dma2 semaphore(%run_scoped3A : memref<!tpu.dma_semaphore, #tpu.memory_space<semaphore_mem>>) src(%dma_wait3A_32 : memref<95x128xi32, #tpu.memory_space<hbm>>) dst(%arg7 : memref<95x128xi32, #tpu.memory_space<vmem>>)
      tpu.yield
    }) : () -> ()
    "tpu.region"() ({
      %run_scoped3A = tpu.sem_alloc : memref<!tpu.dma_semaphore, #tpu.memory_space<semaphore_mem>>
      %dma_start3A = arith.constant 0 : i32
      %dma_start3A_19 = arith.constant 0 : i32
      %dma_start3A_20 = tpu.memref_slice %arg4[%arg0, %arg1, %dma_start3A, %dma_start3A_19] : memref<2x16x95x128xi32, #tpu.memory_space<hbm>> -> memref<1x1x95x128xi32, #tpu.memory_space<hbm>>
      %dma_start3A_21 = tpu.memref_squeeze %dma_start3A_20 : memref<1x1x95x128xi32, #tpu.memory_space<hbm>> -> memref<95x128xi32, #tpu.memory_space<hbm>>
      %dma_start3A_22 = arith.constant 0 : i32
      %dma_start3A_23 = arith.constant 0 : i32
      %dma_start3A_24 = tpu.memref_slice %arg4[%arg0, %arg1, %dma_start3A_22, %dma_start3A_23] : memref<2x16x95x128xi32, #tpu.memory_space<hbm>> -> memref<1x1x95x128xi32, #tpu.memory_space<hbm>>
      %dma_start3A_25 = tpu.memref_squeeze %dma_start3A_24 : memref<1x1x95x128xi32, #tpu.memory_space<hbm>> -> memref<95x128xi32, #tpu.memory_space<hbm>>
      tpu.enqueue_dma source(%dma_start3A_25 : memref<95x128xi32, #tpu.memory_space<hbm>>) target(%arg8 : memref<95x128xi32, #tpu.memory_space<vmem>>) target_semaphore(%run_scoped3A : memref<!tpu.dma_semaphore, #tpu.memory_space<semaphore_mem>>)
      %dma_wait3A = arith.constant 0 : i32
      %dma_wait3A_26 = arith.constant 0 : i32
      %dma_wait3A_27 = tpu.memref_slice %arg4[%arg0, %arg1, %dma_wait3A, %dma_wait3A_26] : memref<2x16x95x128xi32, #tpu.memory_space<hbm>> -> memref<1x1x95x128xi32, #tpu.memory_space<hbm>>
      %dma_wait3A_28 = tpu.memref_squeeze %dma_wait3A_27 : memref<1x1x95x128xi32, #tpu.memory_space<hbm>> -> memref<95x128xi32, #tpu.memory_space<hbm>>
      %dma_wait3A_29 = arith.constant 0 : i32
      %dma_wait3A_30 = arith.constant 0 : i32
      %dma_wait3A_31 = tpu.memref_slice %arg4[%arg0, %arg1, %dma_wait3A_29, %dma_wait3A_30] : memref<2x16x95x128xi32, #tpu.memory_space<hbm>> -> memref<1x1x95x128xi32, #tpu.memory_space<hbm>>
      %dma_wait3A_32 = tpu.memref_squeeze %dma_wait3A_31 : memref<1x1x95x128xi32, #tpu.memory_space<hbm>> -> memref<95x128xi32, #tpu.memory_space<hbm>>
      tpu.wait_dma2 semaphore(%run_scoped3A : memref<!tpu.dma_semaphore, #tpu.memory_space<semaphore_mem>>) src(%dma_wait3A_32 : memref<95x128xi32, #tpu.memory_space<hbm>>) dst(%arg8 : memref<95x128xi32, #tpu.memory_space<vmem>>)
      tpu.yield
    }) : () -> ()
    %mul3A = arith.constant 640 : i32
    %mul3A_0 = arith.muli %arg1, %mul3A : i32
    %mul3A_1 = arith.constant 640 : i32
    %mul3A_2 = arith.muli %arg1, %mul3A_1 : i32
    "tpu.region"() ({
      %run_scoped3A = tpu.sem_alloc : memref<!tpu.dma_semaphore, #tpu.memory_space<semaphore_mem>>
      %dma_start3A = arith.constant 0 : i32
      %dma_start3A_19 = tpu.memref_slice %arg10[%mul3A_2, %dma_start3A] : memref<10240x128xf32, #tpu.memory_space<vmem_shared>> -> memref<640x128xf32, #tpu.memory_space<vmem_shared>>
      %dma_start3A_20 = arith.constant 0 : i32
      %dma_start3A_21 = tpu.memref_slice %arg5[%mul3A_0, %dma_start3A_20] : memref<10240x128xf32, #tpu.memory_space<hbm>> -> memref<640x128xf32, #tpu.memory_space<hbm>>
      tpu.enqueue_dma source(%dma_start3A_21 : memref<640x128xf32, #tpu.memory_space<hbm>>) target(%dma_start3A_19 : memref<640x128xf32, #tpu.memory_space<vmem_shared>>) target_semaphore(%run_scoped3A : memref<!tpu.dma_semaphore, #tpu.memory_space<semaphore_mem>>)
      %dma_wait3A = arith.constant 0 : i32
      %dma_wait3A_22 = tpu.memref_slice %arg10[%mul3A_2, %dma_wait3A] : memref<10240x128xf32, #tpu.memory_space<vmem_shared>> -> memref<640x128xf32, #tpu.memory_space<vmem_shared>>
      %dma_wait3A_23 = arith.constant 0 : i32
      %dma_wait3A_24 = tpu.memref_slice %arg5[%mul3A_0, %dma_wait3A_23] : memref<10240x128xf32, #tpu.memory_space<hbm>> -> memref<640x128xf32, #tpu.memory_space<hbm>>
      tpu.wait_dma2 semaphore(%run_scoped3A : memref<!tpu.dma_semaphore, #tpu.memory_space<semaphore_mem>>) src(%dma_wait3A_24 : memref<640x128xf32, #tpu.memory_space<hbm>>) dst(%dma_wait3A_22 : memref<640x128xf32, #tpu.memory_space<vmem_shared>>)
      tpu.yield
    }) : () -> ()
    %barrier3A = arith.constant 0 : index
    tpu.barrier barrier_id(%barrier3A)
    %eq3A = arith.constant 0 : i32
    %eq3A_3 = arith.cmpi eq, %arg0, %eq3A : i32
    %jit3A = arith.constant 95 : i32
    %jit3A_4 = arith.constant 62 : i32
    %select_n3A = arith.select %eq3A_3, %jit3A, %jit3A_4 : i32
    %while3A = arith.constant 0 : i32
    %while3A_5 = arith.constant 0 : i32
    %while3A_6 = arith.subi %select_n3A, %while3A_5 : i32
    %while3A_7 = arith.addi %while3A_5, %while3A_6 : i32
    %while3A_8 = arith.constant 1 : i32
    %while3A_9 = arith.divsi %while3A_6, %while3A_8 : i32
    %while3A_10 = arith.muli %while3A_9, %while3A_8 : i32
    %while3A_11 = arith.addi %while3A_5, %while3A_10 : i32
    %while3A_12 = arith.constant 1 : i32
    scf.for %while3A_19 = %while3A_5 to %while3A_11 step %while3A_12  : i32 {
      %dma_start3A = arith.constant 0 : i32
      %dma_start3A_20 = tpu.memref_slice %arg7[%while3A_19, %dma_start3A] : memref<95x128xi32, #tpu.memory_space<vmem>> -> memref<1x128xi32, #tpu.memory_space<vmem>>
      %dma_start3A_21 = tpu.memref_squeeze %dma_start3A_20 : memref<1x128xi32, #tpu.memory_space<vmem>> -> memref<128xi32, #tpu.memory_space<vmem>>
      %dma_start3A_22 = arith.constant 0 : i32
      %dma_start3A_23 = arith.constant 0 : i32
      %dma_start3A_24 = tpu.memref_slice %arg2[%dma_start3A_22, %dma_start3A_23] : memref<10240x128xf32, #tpu.memory_space<hbm>> -> memref<10240x128xf32, #tpu.memory_space<hbm>>
      tpu.enqueue_indirect_dma source(%dma_start3A_24 : memref<10240x128xf32, #tpu.memory_space<hbm>>) target(%arg9 : memref<128x128xf32, #tpu.memory_space<vmem>>) offsets(%dma_start3A_21 : memref<128xi32, #tpu.memory_space<vmem>>) semaphore(%arg11 : memref<!tpu.dma_semaphore, #tpu.memory_space<semaphore_mem>>)
      %dma_wait3A = arith.constant 0 : i32
      %dma_wait3A_25 = tpu.memref_slice %arg7[%while3A_19, %dma_wait3A] : memref<95x128xi32, #tpu.memory_space<vmem>> -> memref<1x128xi32, #tpu.memory_space<vmem>>
      %dma_wait3A_26 = tpu.memref_squeeze %dma_wait3A_25 : memref<1x128xi32, #tpu.memory_space<vmem>> -> memref<128xi32, #tpu.memory_space<vmem>>
      %dma_wait3A_27 = arith.constant 0 : i32
      %dma_wait3A_28 = arith.constant 0 : i32
      %dma_wait3A_29 = tpu.memref_slice %arg2[%dma_wait3A_27, %dma_wait3A_28] : memref<10240x128xf32, #tpu.memory_space<hbm>> -> memref<10240x128xf32, #tpu.memory_space<hbm>>
      tpu.wait_indirect_dma semaphore(%arg11 : memref<!tpu.dma_semaphore, #tpu.memory_space<semaphore_mem>>) src(%dma_wait3A_29 : memref<10240x128xf32, #tpu.memory_space<hbm>>) dst(%arg9 : memref<128x128xf32, #tpu.memory_space<vmem>>)
      "tpu.region"() ({
        %run_scoped3A = tpu.sem_alloc : memref<!tpu.dma_semaphore, #tpu.memory_space<semaphore_mem>>
        %dma_start3A_30 = arith.constant 0 : i32
        %dma_start3A_31 = tpu.memref_slice %arg8[%while3A_19, %dma_start3A_30] : memref<95x128xi32, #tpu.memory_space<vmem>> -> memref<1x128xi32, #tpu.memory_space<vmem>>
        %dma_start3A_32 = tpu.memref_squeeze %dma_start3A_31 : memref<1x128xi32, #tpu.memory_space<vmem>> -> memref<128xi32, #tpu.memory_space<vmem>>
        %dma_start3A_33 = arith.constant 0 : i32
        %dma_start3A_34 = arith.constant 0 : i32
        %dma_start3A_35 = tpu.memref_slice %arg10[%dma_start3A_33, %dma_start3A_34] : memref<10240x128xf32, #tpu.memory_space<vmem_shared>> -> memref<10240x128xf32, #tpu.memory_space<vmem_shared>>
        tpu.enqueue_indirect_dma source(%arg9 : memref<128x128xf32, #tpu.memory_space<vmem>>) target(%dma_start3A_35 : memref<10240x128xf32, #tpu.memory_space<vmem_shared>>) offsets(%dma_start3A_32 : memref<128xi32, #tpu.memory_space<vmem>>) semaphore(%run_scoped3A : memref<!tpu.dma_semaphore, #tpu.memory_space<semaphore_mem>>) {add = true}
        %dma_wait3A_36 = arith.constant 0 : i32
        %dma_wait3A_37 = tpu.memref_slice %arg8[%while3A_19, %dma_wait3A_36] : memref<95x128xi32, #tpu.memory_space<vmem>> -> memref<1x128xi32, #tpu.memory_space<vmem>>
        %dma_wait3A_38 = tpu.memref_squeeze %dma_wait3A_37 : memref<1x128xi32, #tpu.memory_space<vmem>> -> memref<128xi32, #tpu.memory_space<vmem>>
        %dma_wait3A_39 = arith.constant 0 : i32
        %dma_wait3A_40 = arith.constant 0 : i32
        %dma_wait3A_41 = tpu.memref_slice %arg10[%dma_wait3A_39, %dma_wait3A_40] : memref<10240x128xf32, #tpu.memory_space<vmem_shared>> -> memref<10240x128xf32, #tpu.memory_space<vmem_shared>>
        tpu.wait_indirect_dma semaphore(%run_scoped3A : memref<!tpu.dma_semaphore, #tpu.memory_space<semaphore_mem>>) src(%arg9 : memref<128x128xf32, #tpu.memory_space<vmem>>) dst(%dma_wait3A_41 : memref<10240x128xf32, #tpu.memory_space<vmem_shared>>)
        tpu.yield
      }) : () -> ()
    }
    %while3A_13 = arith.constant 1 : i32
    scf.for %while3A_19 = %while3A_11 to %while3A_7 step %while3A_13  : i32 {
      %dma_start3A = arith.constant 0 : i32
      %dma_start3A_20 = tpu.memref_slice %arg7[%while3A_19, %dma_start3A] : memref<95x128xi32, #tpu.memory_space<vmem>> -> memref<1x128xi32, #tpu.memory_space<vmem>>
      %dma_start3A_21 = tpu.memref_squeeze %dma_start3A_20 : memref<1x128xi32, #tpu.memory_space<vmem>> -> memref<128xi32, #tpu.memory_space<vmem>>
      %dma_start3A_22 = arith.constant 0 : i32
      %dma_start3A_23 = arith.constant 0 : i32
      %dma_start3A_24 = tpu.memref_slice %arg2[%dma_start3A_22, %dma_start3A_23] : memref<10240x128xf32, #tpu.memory_space<hbm>> -> memref<10240x128xf32, #tpu.memory_space<hbm>>
      tpu.enqueue_indirect_dma source(%dma_start3A_24 : memref<10240x128xf32, #tpu.memory_space<hbm>>) target(%arg9 : memref<128x128xf32, #tpu.memory_space<vmem>>) offsets(%dma_start3A_21 : memref<128xi32, #tpu.memory_space<vmem>>) semaphore(%arg11 : memref<!tpu.dma_semaphore, #tpu.memory_space<semaphore_mem>>)
      %dma_wait3A = arith.constant 0 : i32
      %dma_wait3A_25 = tpu.memref_slice %arg7[%while3A_19, %dma_wait3A] : memref<95x128xi32, #tpu.memory_space<vmem>> -> memref<1x128xi32, #tpu.memory_space<vmem>>
      %dma_wait3A_26 = tpu.memref_squeeze %dma_wait3A_25 : memref<1x128xi32, #tpu.memory_space<vmem>> -> memref<128xi32, #tpu.memory_space<vmem>>
      %dma_wait3A_27 = arith.constant 0 : i32
      %dma_wait3A_28 = arith.constant 0 : i32
      %dma_wait3A_29 = tpu.memref_slice %arg2[%dma_wait3A_27, %dma_wait3A_28] : memref<10240x128xf32, #tpu.memory_space<hbm>> -> memref<10240x128xf32, #tpu.memory_space<hbm>>
      tpu.wait_indirect_dma semaphore(%arg11 : memref<!tpu.dma_semaphore, #tpu.memory_space<semaphore_mem>>) src(%dma_wait3A_29 : memref<10240x128xf32, #tpu.memory_space<hbm>>) dst(%arg9 : memref<128x128xf32, #tpu.memory_space<vmem>>)
      "tpu.region"() ({
        %run_scoped3A = tpu.sem_alloc : memref<!tpu.dma_semaphore, #tpu.memory_space<semaphore_mem>>
        %dma_start3A_30 = arith.constant 0 : i32
        %dma_start3A_31 = tpu.memref_slice %arg8[%while3A_19, %dma_start3A_30] : memref<95x128xi32, #tpu.memory_space<vmem>> -> memref<1x128xi32, #tpu.memory_space<vmem>>
        %dma_start3A_32 = tpu.memref_squeeze %dma_start3A_31 : memref<1x128xi32, #tpu.memory_space<vmem>> -> memref<128xi32, #tpu.memory_space<vmem>>
        %dma_start3A_33 = arith.constant 0 : i32
        %dma_start3A_34 = arith.constant 0 : i32
        %dma_start3A_35 = tpu.memref_slice %arg10[%dma_start3A_33, %dma_start3A_34] : memref<10240x128xf32, #tpu.memory_space<vmem_shared>> -> memref<10240x128xf32, #tpu.memory_space<vmem_shared>>
        tpu.enqueue_indirect_dma source(%arg9 : memref<128x128xf32, #tpu.memory_space<vmem>>) target(%dma_start3A_35 : memref<10240x128xf32, #tpu.memory_space<vmem_shared>>) offsets(%dma_start3A_32 : memref<128xi32, #tpu.memory_space<vmem>>) semaphore(%run_scoped3A : memref<!tpu.dma_semaphore, #tpu.memory_space<semaphore_mem>>) {add = true}
        %dma_wait3A_36 = arith.constant 0 : i32
        %dma_wait3A_37 = tpu.memref_slice %arg8[%while3A_19, %dma_wait3A_36] : memref<95x128xi32, #tpu.memory_space<vmem>> -> memref<1x128xi32, #tpu.memory_space<vmem>>
        %dma_wait3A_38 = tpu.memref_squeeze %dma_wait3A_37 : memref<1x128xi32, #tpu.memory_space<vmem>> -> memref<128xi32, #tpu.memory_space<vmem>>
        %dma_wait3A_39 = arith.constant 0 : i32
        %dma_wait3A_40 = arith.constant 0 : i32
        %dma_wait3A_41 = tpu.memref_slice %arg10[%dma_wait3A_39, %dma_wait3A_40] : memref<10240x128xf32, #tpu.memory_space<vmem_shared>> -> memref<10240x128xf32, #tpu.memory_space<vmem_shared>>
        tpu.wait_indirect_dma semaphore(%run_scoped3A : memref<!tpu.dma_semaphore, #tpu.memory_space<semaphore_mem>>) src(%arg9 : memref<128x128xf32, #tpu.memory_space<vmem>>) dst(%dma_wait3A_41 : memref<10240x128xf32, #tpu.memory_space<vmem_shared>>)
        tpu.yield
      }) : () -> ()
    }
    %barrier3A_14 = arith.constant 0 : index
    tpu.barrier barrier_id(%barrier3A_14)
    %mul3A_15 = arith.constant 640 : i32
    %mul3A_16 = arith.muli %arg1, %mul3A_15 : i32
    %mul3A_17 = arith.constant 640 : i32
    %mul3A_18 = arith.muli %arg1, %mul3A_17 : i32
    "tpu.region"() ({
      %run_scoped3A = tpu.sem_alloc : memref<!tpu.dma_semaphore, #tpu.memory_space<semaphore_mem>>
      %dma_start3A = arith.constant 0 : i32
      %dma_start3A_19 = tpu.memref_slice %arg6[%arg0, %mul3A_18, %dma_start3A] : memref<2x10240x128xf32, #tpu.memory_space<hbm>> -> memref<1x640x128xf32, #tpu.memory_space<hbm>>
      %dma_start3A_20 = tpu.memref_squeeze %dma_start3A_19 : memref<1x640x128xf32, #tpu.memory_space<hbm>> -> memref<640x128xf32, #tpu.memory_space<hbm>>
      %dma_start3A_21 = arith.constant 0 : i32
      %dma_start3A_22 = tpu.memref_slice %arg10[%mul3A_16, %dma_start3A_21] : memref<10240x128xf32, #tpu.memory_space<vmem_shared>> -> memref<640x128xf32, #tpu.memory_space<vmem_shared>>
      tpu.enqueue_dma source(%dma_start3A_22 : memref<640x128xf32, #tpu.memory_space<vmem_shared>>) target(%dma_start3A_20 : memref<640x128xf32, #tpu.memory_space<hbm>>) target_semaphore(%run_scoped3A : memref<!tpu.dma_semaphore, #tpu.memory_space<semaphore_mem>>)
      %dma_wait3A = arith.constant 0 : i32
      %dma_wait3A_23 = tpu.memref_slice %arg6[%arg0, %mul3A_18, %dma_wait3A] : memref<2x10240x128xf32, #tpu.memory_space<hbm>> -> memref<1x640x128xf32, #tpu.memory_space<hbm>>
      %dma_wait3A_24 = tpu.memref_squeeze %dma_wait3A_23 : memref<1x640x128xf32, #tpu.memory_space<hbm>> -> memref<640x128xf32, #tpu.memory_space<hbm>>
      %dma_wait3A_25 = arith.constant 0 : i32
      %dma_wait3A_26 = tpu.memref_slice %arg10[%mul3A_16, %dma_wait3A_25] : memref<10240x128xf32, #tpu.memory_space<vmem_shared>> -> memref<640x128xf32, #tpu.memory_space<vmem_shared>>
      tpu.wait_dma2 semaphore(%run_scoped3A : memref<!tpu.dma_semaphore, #tpu.memory_space<semaphore_mem>>) src(%dma_wait3A_26 : memref<640x128xf32, #tpu.memory_space<vmem_shared>>) dst(%dma_wait3A_24 : memref<640x128xf32, #tpu.memory_space<hbm>>)
      tpu.yield
    }) : () -> ()
    return
  }
}

#map = affine_map<(d0, d1) -> (0, 0)>
#map1 = affine_map<(d0, d1) -> (0, 0, 0, 0)>
#map2 = affine_map<(d0, d1) -> (0, 0, 0)>
module attributes {stable_mosaic.version = 14 : i64} {
  func.func @agg(%arg0: i32, %arg1: i32, %arg2: memref<10240x128xf32, #tpu.memory_space<hbm>>, %arg3: memref<2x16x95x128xi32, #tpu.memory_space<hbm>>, %arg4: memref<2x16x95x128xi32, #tpu.memory_space<hbm>>, %arg5: memref<10240x128xf32, #tpu.memory_space<hbm>>, %arg6: memref<2x10240x128xf32, #tpu.memory_space<hbm>>, %arg7: memref<95x128xi32, #tpu.memory_space<vmem>>, %arg8: memref<95x128xi32, #tpu.memory_space<vmem>>, %arg9: memref<128x128xf32, #tpu.memory_space<vmem>>, %arg10: memref<10240x128xf32, #tpu.memory_space<vmem_shared>>, %arg11: memref<!tpu.dma_semaphore, #tpu.memory_space<semaphore_mem>>) attributes {dimension_semantics = [#tpu.dimension_semantics<core_parallel>, #tpu.dimension_semantics<subcore_parallel>], iteration_bounds = array<i64: 2, 16>, scalar_prefetch = 0 : i64, scratch_operands = 5 : i64, tpu.core_type = #tpu.core_type<sc_vector_subcore>, window_params = [{transform_indices = #map}, {transform_indices = #map1}, {transform_indices = #map1}, {transform_indices = #map}, {transform_indices = #map2}]} {
    "tpu.region"() ({
      %run_scoped3A = tpu.sem_alloc : memref<!tpu.dma_semaphore, #tpu.memory_space<semaphore_mem>>
      %dma_start3A = arith.constant 0 : i32
      %dma_start3A_19 = arith.constant 0 : i32
      %dma_start3A_20 = tpu.memref_slice %arg3[%arg0, %arg1, %dma_start3A, %dma_start3A_19] : memref<2x16x95x128xi32, #tpu.memory_space<hbm>> -> memref<1x1x95x128xi32, #tpu.memory_space<hbm>>
      %dma_start3A_21 = tpu.memref_squeeze %dma_start3A_20 : memref<1x1x95x128xi32, #tpu.memory_space<hbm>> -> memref<95x128xi32, #tpu.memory_space<hbm>>
      %dma_start3A_22 = arith.constant 0 : i32
      %dma_start3A_23 = arith.constant 0 : i32
      %dma_start3A_24 = tpu.memref_slice %arg3[%arg0, %arg1, %dma_start3A_22, %dma_start3A_23] : memref<2x16x95x128xi32, #tpu.memory_space<hbm>> -> memref<1x1x95x128xi32, #tpu.memory_space<hbm>>
      %dma_start3A_25 = tpu.memref_squeeze %dma_start3A_24 : memref<1x1x95x128xi32, #tpu.memory_space<hbm>> -> memref<95x128xi32, #tpu.memory_space<hbm>>
      tpu.enqueue_dma source(%dma_start3A_25 : memref<95x128xi32, #tpu.memory_space<hbm>>) target(%arg7 : memref<95x128xi32, #tpu.memory_space<vmem>>) target_semaphore(%run_scoped3A : memref<!tpu.dma_semaphore, #tpu.memory_space<semaphore_mem>>)
      %dma_wait3A = arith.constant 0 : i32
      %dma_wait3A_26 = arith.constant 0 : i32
      %dma_wait3A_27 = tpu.memref_slice %arg3[%arg0, %arg1, %dma_wait3A, %dma_wait3A_26] : memref<2x16x95x128xi32, #tpu.memory_space<hbm>> -> memref<1x1x95x128xi32, #tpu.memory_space<hbm>>
      %dma_wait3A_28 = tpu.memref_squeeze %dma_wait3A_27 : memref<1x1x95x128xi32, #tpu.memory_space<hbm>> -> memref<95x128xi32, #tpu.memory_space<hbm>>
      %dma_wait3A_29 = arith.constant 0 : i32
      %dma_wait3A_30 = arith.constant 0 : i32
      %dma_wait3A_31 = tpu.memref_slice %arg3[%arg0, %arg1, %dma_wait3A_29, %dma_wait3A_30] : memref<2x16x95x128xi32, #tpu.memory_space<hbm>> -> memref<1x1x95x128xi32, #tpu.memory_space<hbm>>
      %dma_wait3A_32 = tpu.memref_squeeze %dma_wait3A_31 : memref<1x1x95x128xi32, #tpu.memory_space<hbm>> -> memref<95x128xi32, #tpu.memory_space<hbm>>
      tpu.wait_dma2 semaphore(%run_scoped3A : memref<!tpu.dma_semaphore, #tpu.memory_space<semaphore_mem>>) src(%dma_wait3A_32 : memref<95x128xi32, #tpu.memory_space<hbm>>) dst(%arg7 : memref<95x128xi32, #tpu.memory_space<vmem>>)
      tpu.yield
    }) : () -> ()
    "tpu.region"() ({
      %run_scoped3A = tpu.sem_alloc : memref<!tpu.dma_semaphore, #tpu.memory_space<semaphore_mem>>
      %dma_start3A = arith.constant 0 : i32
      %dma_start3A_19 = arith.constant 0 : i32
      %dma_start3A_20 = tpu.memref_slice %arg4[%arg0, %arg1, %dma_start3A, %dma_start3A_19] : memref<2x16x95x128xi32, #tpu.memory_space<hbm>> -> memref<1x1x95x128xi32, #tpu.memory_space<hbm>>
      %dma_start3A_21 = tpu.memref_squeeze %dma_start3A_20 : memref<1x1x95x128xi32, #tpu.memory_space<hbm>> -> memref<95x128xi32, #tpu.memory_space<hbm>>
      %dma_start3A_22 = arith.constant 0 : i32
      %dma_start3A_23 = arith.constant 0 : i32
      %dma_start3A_24 = tpu.memref_slice %arg4[%arg0, %arg1, %dma_start3A_22, %dma_start3A_23] : memref<2x16x95x128xi32, #tpu.memory_space<hbm>> -> memref<1x1x95x128xi32, #tpu.memory_space<hbm>>
      %dma_start3A_25 = tpu.memref_squeeze %dma_start3A_24 : memref<1x1x95x128xi32, #tpu.memory_space<hbm>> -> memref<95x128xi32, #tpu.memory_space<hbm>>
      tpu.enqueue_dma source(%dma_start3A_25 : memref<95x128xi32, #tpu.memory_space<hbm>>) target(%arg8 : memref<95x128xi32, #tpu.memory_space<vmem>>) target_semaphore(%run_scoped3A : memref<!tpu.dma_semaphore, #tpu.memory_space<semaphore_mem>>)
      %dma_wait3A = arith.constant 0 : i32
      %dma_wait3A_26 = arith.constant 0 : i32
      %dma_wait3A_27 = tpu.memref_slice %arg4[%arg0, %arg1, %dma_wait3A, %dma_wait3A_26] : memref<2x16x95x128xi32, #tpu.memory_space<hbm>> -> memref<1x1x95x128xi32, #tpu.memory_space<hbm>>
      %dma_wait3A_28 = tpu.memref_squeeze %dma_wait3A_27 : memref<1x1x95x128xi32, #tpu.memory_space<hbm>> -> memref<95x128xi32, #tpu.memory_space<hbm>>
      %dma_wait3A_29 = arith.constant 0 : i32
      %dma_wait3A_30 = arith.constant 0 : i32
      %dma_wait3A_31 = tpu.memref_slice %arg4[%arg0, %arg1, %dma_wait3A_29, %dma_wait3A_30] : memref<2x16x95x128xi32, #tpu.memory_space<hbm>> -> memref<1x1x95x128xi32, #tpu.memory_space<hbm>>
      %dma_wait3A_32 = tpu.memref_squeeze %dma_wait3A_31 : memref<1x1x95x128xi32, #tpu.memory_space<hbm>> -> memref<95x128xi32, #tpu.memory_space<hbm>>
      tpu.wait_dma2 semaphore(%run_scoped3A : memref<!tpu.dma_semaphore, #tpu.memory_space<semaphore_mem>>) src(%dma_wait3A_32 : memref<95x128xi32, #tpu.memory_space<hbm>>) dst(%arg8 : memref<95x128xi32, #tpu.memory_space<vmem>>)
      tpu.yield
    }) : () -> ()
    %mul3A = arith.constant 640 : i32
    %mul3A_0 = arith.muli %arg1, %mul3A : i32
    %mul3A_1 = arith.constant 640 : i32
    %mul3A_2 = arith.muli %arg1, %mul3A_1 : i32
    "tpu.region"() ({
      %run_scoped3A = tpu.sem_alloc : memref<!tpu.dma_semaphore, #tpu.memory_space<semaphore_mem>>
      %dma_start3A = arith.constant 0 : i32
      %dma_start3A_19 = tpu.memref_slice %arg10[%mul3A_2, %dma_start3A] : memref<10240x128xf32, #tpu.memory_space<vmem_shared>> -> memref<640x128xf32, #tpu.memory_space<vmem_shared>>
      %dma_start3A_20 = arith.constant 0 : i32
      %dma_start3A_21 = tpu.memref_slice %arg5[%mul3A_0, %dma_start3A_20] : memref<10240x128xf32, #tpu.memory_space<hbm>> -> memref<640x128xf32, #tpu.memory_space<hbm>>
      tpu.enqueue_dma source(%dma_start3A_21 : memref<640x128xf32, #tpu.memory_space<hbm>>) target(%dma_start3A_19 : memref<640x128xf32, #tpu.memory_space<vmem_shared>>) target_semaphore(%run_scoped3A : memref<!tpu.dma_semaphore, #tpu.memory_space<semaphore_mem>>)
      %dma_wait3A = arith.constant 0 : i32
      %dma_wait3A_22 = tpu.memref_slice %arg10[%mul3A_2, %dma_wait3A] : memref<10240x128xf32, #tpu.memory_space<vmem_shared>> -> memref<640x128xf32, #tpu.memory_space<vmem_shared>>
      %dma_wait3A_23 = arith.constant 0 : i32
      %dma_wait3A_24 = tpu.memref_slice %arg5[%mul3A_0, %dma_wait3A_23] : memref<10240x128xf32, #tpu.memory_space<hbm>> -> memref<640x128xf32, #tpu.memory_space<hbm>>
      tpu.wait_dma2 semaphore(%run_scoped3A : memref<!tpu.dma_semaphore, #tpu.memory_space<semaphore_mem>>) src(%dma_wait3A_24 : memref<640x128xf32, #tpu.memory_space<hbm>>) dst(%dma_wait3A_22 : memref<640x128xf32, #tpu.memory_space<vmem_shared>>)
      tpu.yield
    }) : () -> ()
    %barrier3A = arith.constant 0 : index
    tpu.barrier barrier_id(%barrier3A)
    %eq3A = arith.constant 0 : i32
    %eq3A_3 = arith.cmpi eq, %arg0, %eq3A : i32
    %jit3A = arith.constant 95 : i32
    %jit3A_4 = arith.constant 62 : i32
    %select_n3A = arith.select %eq3A_3, %jit3A, %jit3A_4 : i32
    %while3A = arith.constant 0 : i32
    %while3A_5 = arith.constant 0 : i32
    %while3A_6 = arith.subi %select_n3A, %while3A_5 : i32
    %while3A_7 = arith.addi %while3A_5, %while3A_6 : i32
    %while3A_8 = arith.constant 1 : i32
    %while3A_9 = arith.divsi %while3A_6, %while3A_8 : i32
    %while3A_10 = arith.muli %while3A_9, %while3A_8 : i32
    %while3A_11 = arith.addi %while3A_5, %while3A_10 : i32
    %while3A_12 = arith.constant 1 : i32
    scf.for %while3A_19 = %while3A_5 to %while3A_11 step %while3A_12  : i32 {
      %dma_start3A = arith.constant 0 : i32
      %dma_start3A_20 = tpu.memref_slice %arg7[%while3A_19, %dma_start3A] : memref<95x128xi32, #tpu.memory_space<vmem>> -> memref<1x128xi32, #tpu.memory_space<vmem>>
      %dma_start3A_21 = tpu.memref_squeeze %dma_start3A_20 : memref<1x128xi32, #tpu.memory_space<vmem>> -> memref<128xi32, #tpu.memory_space<vmem>>
      %dma_start3A_22 = arith.constant 0 : i32
      %dma_start3A_23 = arith.constant 0 : i32
      %dma_start3A_24 = tpu.memref_slice %arg2[%dma_start3A_22, %dma_start3A_23] : memref<10240x128xf32, #tpu.memory_space<hbm>> -> memref<10240x128xf32, #tpu.memory_space<hbm>>
      tpu.enqueue_indirect_dma source(%dma_start3A_24 : memref<10240x128xf32, #tpu.memory_space<hbm>>) target(%arg9 : memref<128x128xf32, #tpu.memory_space<vmem>>) offsets(%dma_start3A_21 : memref<128xi32, #tpu.memory_space<vmem>>) semaphore(%arg11 : memref<!tpu.dma_semaphore, #tpu.memory_space<semaphore_mem>>)
      %dma_wait3A = arith.constant 0 : i32
      %dma_wait3A_25 = tpu.memref_slice %arg7[%while3A_19, %dma_wait3A] : memref<95x128xi32, #tpu.memory_space<vmem>> -> memref<1x128xi32, #tpu.memory_space<vmem>>
      %dma_wait3A_26 = tpu.memref_squeeze %dma_wait3A_25 : memref<1x128xi32, #tpu.memory_space<vmem>> -> memref<128xi32, #tpu.memory_space<vmem>>
      %dma_wait3A_27 = arith.constant 0 : i32
      %dma_wait3A_28 = arith.constant 0 : i32
      %dma_wait3A_29 = tpu.memref_slice %arg2[%dma_wait3A_27, %dma_wait3A_28] : memref<10240x128xf32, #tpu.memory_space<hbm>> -> memref<10240x128xf32, #tpu.memory_space<hbm>>
      tpu.wait_indirect_dma semaphore(%arg11 : memref<!tpu.dma_semaphore, #tpu.memory_space<semaphore_mem>>) src(%dma_wait3A_29 : memref<10240x128xf32, #tpu.memory_space<hbm>>) dst(%arg9 : memref<128x128xf32, #tpu.memory_space<vmem>>)
      "tpu.region"() ({
        %run_scoped3A = tpu.sem_alloc : memref<!tpu.dma_semaphore, #tpu.memory_space<semaphore_mem>>
        %dma_start3A_30 = arith.constant 0 : i32
        %dma_start3A_31 = tpu.memref_slice %arg8[%while3A_19, %dma_start3A_30] : memref<95x128xi32, #tpu.memory_space<vmem>> -> memref<1x128xi32, #tpu.memory_space<vmem>>
        %dma_start3A_32 = tpu.memref_squeeze %dma_start3A_31 : memref<1x128xi32, #tpu.memory_space<vmem>> -> memref<128xi32, #tpu.memory_space<vmem>>
        %dma_start3A_33 = arith.constant 0 : i32
        %dma_start3A_34 = arith.constant 0 : i32
        %dma_start3A_35 = tpu.memref_slice %arg10[%dma_start3A_33, %dma_start3A_34] : memref<10240x128xf32, #tpu.memory_space<vmem_shared>> -> memref<10240x128xf32, #tpu.memory_space<vmem_shared>>
        tpu.enqueue_indirect_dma source(%arg9 : memref<128x128xf32, #tpu.memory_space<vmem>>) target(%dma_start3A_35 : memref<10240x128xf32, #tpu.memory_space<vmem_shared>>) offsets(%dma_start3A_32 : memref<128xi32, #tpu.memory_space<vmem>>) semaphore(%run_scoped3A : memref<!tpu.dma_semaphore, #tpu.memory_space<semaphore_mem>>) {add = true}
        %dma_wait3A_36 = arith.constant 0 : i32
        %dma_wait3A_37 = tpu.memref_slice %arg8[%while3A_19, %dma_wait3A_36] : memref<95x128xi32, #tpu.memory_space<vmem>> -> memref<1x128xi32, #tpu.memory_space<vmem>>
        %dma_wait3A_38 = tpu.memref_squeeze %dma_wait3A_37 : memref<1x128xi32, #tpu.memory_space<vmem>> -> memref<128xi32, #tpu.memory_space<vmem>>
        %dma_wait3A_39 = arith.constant 0 : i32
        %dma_wait3A_40 = arith.constant 0 : i32
        %dma_wait3A_41 = tpu.memref_slice %arg10[%dma_wait3A_39, %dma_wait3A_40] : memref<10240x128xf32, #tpu.memory_space<vmem_shared>> -> memref<10240x128xf32, #tpu.memory_space<vmem_shared>>
        tpu.wait_indirect_dma semaphore(%run_scoped3A : memref<!tpu.dma_semaphore, #tpu.memory_space<semaphore_mem>>) src(%arg9 : memref<128x128xf32, #tpu.memory_space<vmem>>) dst(%dma_wait3A_41 : memref<10240x128xf32, #tpu.memory_space<vmem_shared>>)
        tpu.yield
      }) : () -> ()
    }
    %while3A_13 = arith.constant 1 : i32
    scf.for %while3A_19 = %while3A_11 to %while3A_7 step %while3A_13  : i32 {
      %dma_start3A = arith.constant 0 : i32
      %dma_start3A_20 = tpu.memref_slice %arg7[%while3A_19, %dma_start3A] : memref<95x128xi32, #tpu.memory_space<vmem>> -> memref<1x128xi32, #tpu.memory_space<vmem>>
      %dma_start3A_21 = tpu.memref_squeeze %dma_start3A_20 : memref<1x128xi32, #tpu.memory_space<vmem>> -> memref<128xi32, #tpu.memory_space<vmem>>
      %dma_start3A_22 = arith.constant 0 : i32
      %dma_start3A_23 = arith.constant 0 : i32
      %dma_start3A_24 = tpu.memref_slice %arg2[%dma_start3A_22, %dma_start3A_23] : memref<10240x128xf32, #tpu.memory_space<hbm>> -> memref<10240x128xf32, #tpu.memory_space<hbm>>
      tpu.enqueue_indirect_dma source(%dma_start3A_24 : memref<10240x128xf32, #tpu.memory_space<hbm>>) target(%arg9 : memref<128x128xf32, #tpu.memory_space<vmem>>) offsets(%dma_start3A_21 : memref<128xi32, #tpu.memory_space<vmem>>) semaphore(%arg11 : memref<!tpu.dma_semaphore, #tpu.memory_space<semaphore_mem>>)
      %dma_wait3A = arith.constant 0 : i32
      %dma_wait3A_25 = tpu.memref_slice %arg7[%while3A_19, %dma_wait3A] : memref<95x128xi32, #tpu.memory_space<vmem>> -> memref<1x128xi32, #tpu.memory_space<vmem>>
      %dma_wait3A_26 = tpu.memref_squeeze %dma_wait3A_25 : memref<1x128xi32, #tpu.memory_space<vmem>> -> memref<128xi32, #tpu.memory_space<vmem>>
      %dma_wait3A_27 = arith.constant 0 : i32
      %dma_wait3A_28 = arith.constant 0 : i32
      %dma_wait3A_29 = tpu.memref_slice %arg2[%dma_wait3A_27, %dma_wait3A_28] : memref<10240x128xf32, #tpu.memory_space<hbm>> -> memref<10240x128xf32, #tpu.memory_space<hbm>>
      tpu.wait_indirect_dma semaphore(%arg11 : memref<!tpu.dma_semaphore, #tpu.memory_space<semaphore_mem>>) src(%dma_wait3A_29 : memref<10240x128xf32, #tpu.memory_space<hbm>>) dst(%arg9 : memref<128x128xf32, #tpu.memory_space<vmem>>)
      "tpu.region"() ({
        %run_scoped3A = tpu.sem_alloc : memref<!tpu.dma_semaphore, #tpu.memory_space<semaphore_mem>>
        %dma_start3A_30 = arith.constant 0 : i32
        %dma_start3A_31 = tpu.memref_slice %arg8[%while3A_19, %dma_start3A_30] : memref<95x128xi32, #tpu.memory_space<vmem>> -> memref<1x128xi32, #tpu.memory_space<vmem>>
        %dma_start3A_32 = tpu.memref_squeeze %dma_start3A_31 : memref<1x128xi32, #tpu.memory_space<vmem>> -> memref<128xi32, #tpu.memory_space<vmem>>
        %dma_start3A_33 = arith.constant 0 : i32
        %dma_start3A_34 = arith.constant 0 : i32
        %dma_start3A_35 = tpu.memref_slice %arg10[%dma_start3A_33, %dma_start3A_34] : memref<10240x128xf32, #tpu.memory_space<vmem_shared>> -> memref<10240x128xf32, #tpu.memory_space<vmem_shared>>
        tpu.enqueue_indirect_dma source(%arg9 : memref<128x128xf32, #tpu.memory_space<vmem>>) target(%dma_start3A_35 : memref<10240x128xf32, #tpu.memory_space<vmem_shared>>) offsets(%dma_start3A_32 : memref<128xi32, #tpu.memory_space<vmem>>) semaphore(%run_scoped3A : memref<!tpu.dma_semaphore, #tpu.memory_space<semaphore_mem>>) {add = true}
        %dma_wait3A_36 = arith.constant 0 : i32
        %dma_wait3A_37 = tpu.memref_slice %arg8[%while3A_19, %dma_wait3A_36] : memref<95x128xi32, #tpu.memory_space<vmem>> -> memref<1x128xi32, #tpu.memory_space<vmem>>
        %dma_wait3A_38 = tpu.memref_squeeze %dma_wait3A_37 : memref<1x128xi32, #tpu.memory_space<vmem>> -> memref<128xi32, #tpu.memory_space<vmem>>
        %dma_wait3A_39 = arith.constant 0 : i32
        %dma_wait3A_40 = arith.constant 0 : i32
        %dma_wait3A_41 = tpu.memref_slice %arg10[%dma_wait3A_39, %dma_wait3A_40] : memref<10240x128xf32, #tpu.memory_space<vmem_shared>> -> memref<10240x128xf32, #tpu.memory_space<vmem_shared>>
        tpu.wait_indirect_dma semaphore(%run_scoped3A : memref<!tpu.dma_semaphore, #tpu.memory_space<semaphore_mem>>) src(%arg9 : memref<128x128xf32, #tpu.memory_space<vmem>>) dst(%dma_wait3A_41 : memref<10240x128xf32, #tpu.memory_space<vmem_shared>>)
        tpu.yield
      }) : () -> ()
    }
    %barrier3A_14 = arith.constant 0 : index
    tpu.barrier barrier_id(%barrier3A_14)
    %mul3A_15 = arith.constant 640 : i32
    %mul3A_16 = arith.muli %arg1, %mul3A_15 : i32
    %mul3A_17 = arith.constant 640 : i32
    %mul3A_18 = arith.muli %arg1, %mul3A_17 : i32
    "tpu.region"() ({
      %run_scoped3A = tpu.sem_alloc : memref<!tpu.dma_semaphore, #tpu.memory_space<semaphore_mem>>
      %dma_start3A = arith.constant 0 : i32
      %dma_start3A_19 = tpu.memref_slice %arg6[%arg0, %mul3A_18, %dma_start3A] : memref<2x10240x128xf32, #tpu.memory_space<hbm>> -> memref<1x640x128xf32, #tpu.memory_space<hbm>>
      %dma_start3A_20 = tpu.memref_squeeze %dma_start3A_19 : memref<1x640x128xf32, #tpu.memory_space<hbm>> -> memref<640x128xf32, #tpu.memory_space<hbm>>
      %dma_start3A_21 = arith.constant 0 : i32
      %dma_start3A_22 = tpu.memref_slice %arg10[%mul3A_16, %dma_start3A_21] : memref<10240x128xf32, #tpu.memory_space<vmem_shared>> -> memref<640x128xf32, #tpu.memory_space<vmem_shared>>
      tpu.enqueue_dma source(%dma_start3A_22 : memref<640x128xf32, #tpu.memory_space<vmem_shared>>) target(%dma_start3A_20 : memref<640x128xf32, #tpu.memory_space<hbm>>) target_semaphore(%run_scoped3A : memref<!tpu.dma_semaphore, #tpu.memory_space<semaphore_mem>>)
      %dma_wait3A = arith.constant 0 : i32
      %dma_wait3A_23 = tpu.memref_slice %arg6[%arg0, %mul3A_18, %dma_wait3A] : memref<2x10240x128xf32, #tpu.memory_space<hbm>> -> memref<1x640x128xf32, #tpu.memory_space<hbm>>
      %dma_wait3A_24 = tpu.memref_squeeze %dma_wait3A_23 : memref<1x640x128xf32, #tpu.memory_space<hbm>> -> memref<640x128xf32, #tpu.memory_space<hbm>>
      %dma_wait3A_25 = arith.constant 0 : i32
      %dma_wait3A_26 = tpu.memref_slice %arg10[%mul3A_16, %dma_wait3A_25] : memref<10240x128xf32, #tpu.memory_space<vmem_shared>> -> memref<640x128xf32, #tpu.memory_space<vmem_shared>>
      tpu.wait_dma2 semaphore(%run_scoped3A : memref<!tpu.dma_semaphore, #tpu.memory_space<semaphore_mem>>) src(%dma_wait3A_26 : memref<640x128xf32, #tpu.memory_space<vmem_shared>>) dst(%dma_wait3A_24 : memref<640x128xf32, #tpu.memory_space<hbm>>)
      tpu.yield
    }) : () -> ()
    return
  }
}

#map = affine_map<(d0, d1) -> (0, 0, 0, 0)>
#map1 = affine_map<(d0, d1) -> (0, 0)>
#map2 = affine_map<(d0, d1) -> (0, 0, 0)>
module attributes {stable_mosaic.version = 14 : i64} {
  func.func @deg(%arg0: i32, %arg1: i32, %arg2: memref<2x16x84x128xi32, #tpu.memory_space<hbm>>, %arg3: memref<128x128xf32, #tpu.memory_space<hbm>>, %arg4: memref<10240x128xf32, #tpu.memory_space<hbm>>, %arg5: memref<2x10240x128xf32, #tpu.memory_space<hbm>>, %arg6: memref<84x128xi32, #tpu.memory_space<vmem>>, %arg7: memref<128x128xf32, #tpu.memory_space<vmem>>, %arg8: memref<10240x128xf32, #tpu.memory_space<vmem_shared>>) attributes {dimension_semantics = [#tpu.dimension_semantics<core_parallel>, #tpu.dimension_semantics<subcore_parallel>], iteration_bounds = array<i64: 2, 16>, scalar_prefetch = 0 : i64, scratch_operands = 3 : i64, tpu.core_type = #tpu.core_type<sc_vector_subcore>, window_params = [{transform_indices = #map}, {transform_indices = #map1}, {transform_indices = #map1}, {transform_indices = #map2}]} {
    "tpu.region"() ({
      %run_scoped3A = tpu.sem_alloc : memref<!tpu.dma_semaphore, #tpu.memory_space<semaphore_mem>>
      %dma_start3A = arith.constant 0 : i32
      %dma_start3A_19 = arith.constant 0 : i32
      %dma_start3A_20 = tpu.memref_slice %arg2[%arg0, %arg1, %dma_start3A, %dma_start3A_19] : memref<2x16x84x128xi32, #tpu.memory_space<hbm>> -> memref<1x1x84x128xi32, #tpu.memory_space<hbm>>
      %dma_start3A_21 = tpu.memref_squeeze %dma_start3A_20 : memref<1x1x84x128xi32, #tpu.memory_space<hbm>> -> memref<84x128xi32, #tpu.memory_space<hbm>>
      %dma_start3A_22 = arith.constant 0 : i32
      %dma_start3A_23 = arith.constant 0 : i32
      %dma_start3A_24 = tpu.memref_slice %arg2[%arg0, %arg1, %dma_start3A_22, %dma_start3A_23] : memref<2x16x84x128xi32, #tpu.memory_space<hbm>> -> memref<1x1x84x128xi32, #tpu.memory_space<hbm>>
      %dma_start3A_25 = tpu.memref_squeeze %dma_start3A_24 : memref<1x1x84x128xi32, #tpu.memory_space<hbm>> -> memref<84x128xi32, #tpu.memory_space<hbm>>
      tpu.enqueue_dma source(%dma_start3A_25 : memref<84x128xi32, #tpu.memory_space<hbm>>) target(%arg6 : memref<84x128xi32, #tpu.memory_space<vmem>>) target_semaphore(%run_scoped3A : memref<!tpu.dma_semaphore, #tpu.memory_space<semaphore_mem>>)
      %dma_wait3A = arith.constant 0 : i32
      %dma_wait3A_26 = arith.constant 0 : i32
      %dma_wait3A_27 = tpu.memref_slice %arg2[%arg0, %arg1, %dma_wait3A, %dma_wait3A_26] : memref<2x16x84x128xi32, #tpu.memory_space<hbm>> -> memref<1x1x84x128xi32, #tpu.memory_space<hbm>>
      %dma_wait3A_28 = tpu.memref_squeeze %dma_wait3A_27 : memref<1x1x84x128xi32, #tpu.memory_space<hbm>> -> memref<84x128xi32, #tpu.memory_space<hbm>>
      %dma_wait3A_29 = arith.constant 0 : i32
      %dma_wait3A_30 = arith.constant 0 : i32
      %dma_wait3A_31 = tpu.memref_slice %arg2[%arg0, %arg1, %dma_wait3A_29, %dma_wait3A_30] : memref<2x16x84x128xi32, #tpu.memory_space<hbm>> -> memref<1x1x84x128xi32, #tpu.memory_space<hbm>>
      %dma_wait3A_32 = tpu.memref_squeeze %dma_wait3A_31 : memref<1x1x84x128xi32, #tpu.memory_space<hbm>> -> memref<84x128xi32, #tpu.memory_space<hbm>>
      tpu.wait_dma2 semaphore(%run_scoped3A : memref<!tpu.dma_semaphore, #tpu.memory_space<semaphore_mem>>) src(%dma_wait3A_32 : memref<84x128xi32, #tpu.memory_space<hbm>>) dst(%arg6 : memref<84x128xi32, #tpu.memory_space<vmem>>)
      tpu.yield
    }) : () -> ()
    "tpu.region"() ({
      %run_scoped3A = tpu.sem_alloc : memref<!tpu.dma_semaphore, #tpu.memory_space<semaphore_mem>>
      tpu.enqueue_dma source(%arg3 : memref<128x128xf32, #tpu.memory_space<hbm>>) target(%arg7 : memref<128x128xf32, #tpu.memory_space<vmem>>) target_semaphore(%run_scoped3A : memref<!tpu.dma_semaphore, #tpu.memory_space<semaphore_mem>>)
      tpu.wait_dma2 semaphore(%run_scoped3A : memref<!tpu.dma_semaphore, #tpu.memory_space<semaphore_mem>>) src(%arg3 : memref<128x128xf32, #tpu.memory_space<hbm>>) dst(%arg7 : memref<128x128xf32, #tpu.memory_space<vmem>>)
      tpu.yield
    }) : () -> ()
    %mul3A = arith.constant 640 : i32
    %mul3A_0 = arith.muli %arg1, %mul3A : i32
    %mul3A_1 = arith.constant 640 : i32
    %mul3A_2 = arith.muli %arg1, %mul3A_1 : i32
    "tpu.region"() ({
      %run_scoped3A = tpu.sem_alloc : memref<!tpu.dma_semaphore, #tpu.memory_space<semaphore_mem>>
      %dma_start3A = arith.constant 0 : i32
      %dma_start3A_19 = tpu.memref_slice %arg8[%mul3A_2, %dma_start3A] : memref<10240x128xf32, #tpu.memory_space<vmem_shared>> -> memref<640x128xf32, #tpu.memory_space<vmem_shared>>
      %dma_start3A_20 = arith.constant 0 : i32
      %dma_start3A_21 = tpu.memref_slice %arg4[%mul3A_0, %dma_start3A_20] : memref<10240x128xf32, #tpu.memory_space<hbm>> -> memref<640x128xf32, #tpu.memory_space<hbm>>
      tpu.enqueue_dma source(%dma_start3A_21 : memref<640x128xf32, #tpu.memory_space<hbm>>) target(%dma_start3A_19 : memref<640x128xf32, #tpu.memory_space<vmem_shared>>) target_semaphore(%run_scoped3A : memref<!tpu.dma_semaphore, #tpu.memory_space<semaphore_mem>>)
      %dma_wait3A = arith.constant 0 : i32
      %dma_wait3A_22 = tpu.memref_slice %arg8[%mul3A_2, %dma_wait3A] : memref<10240x128xf32, #tpu.memory_space<vmem_shared>> -> memref<640x128xf32, #tpu.memory_space<vmem_shared>>
      %dma_wait3A_23 = arith.constant 0 : i32
      %dma_wait3A_24 = tpu.memref_slice %arg4[%mul3A_0, %dma_wait3A_23] : memref<10240x128xf32, #tpu.memory_space<hbm>> -> memref<640x128xf32, #tpu.memory_space<hbm>>
      tpu.wait_dma2 semaphore(%run_scoped3A : memref<!tpu.dma_semaphore, #tpu.memory_space<semaphore_mem>>) src(%dma_wait3A_24 : memref<640x128xf32, #tpu.memory_space<hbm>>) dst(%dma_wait3A_22 : memref<640x128xf32, #tpu.memory_space<vmem_shared>>)
      tpu.yield
    }) : () -> ()
    %barrier3A = arith.constant 0 : index
    tpu.barrier barrier_id(%barrier3A)
    %eq3A = arith.constant 0 : i32
    %eq3A_3 = arith.cmpi eq, %arg0, %eq3A : i32
    %jit3A = arith.constant 84 : i32
    %jit3A_4 = arith.constant 73 : i32
    %select_n3A = arith.select %eq3A_3, %jit3A, %jit3A_4 : i32
    %while3A = arith.constant 0 : i32
    %while3A_5 = arith.constant 0 : i32
    %while3A_6 = arith.subi %select_n3A, %while3A_5 : i32
    %while3A_7 = arith.addi %while3A_5, %while3A_6 : i32
    %while3A_8 = arith.constant 1 : i32
    %while3A_9 = arith.divsi %while3A_6, %while3A_8 : i32
    %while3A_10 = arith.muli %while3A_9, %while3A_8 : i32
    %while3A_11 = arith.addi %while3A_5, %while3A_10 : i32
    %while3A_12 = arith.constant 1 : i32
    scf.for %while3A_19 = %while3A_5 to %while3A_11 step %while3A_12  : i32 {
      "tpu.region"() ({
        %run_scoped3A = tpu.sem_alloc : memref<!tpu.dma_semaphore, #tpu.memory_space<semaphore_mem>>
        %dma_start3A = arith.constant 0 : i32
        %dma_start3A_20 = tpu.memref_slice %arg6[%while3A_19, %dma_start3A] : memref<84x128xi32, #tpu.memory_space<vmem>> -> memref<1x128xi32, #tpu.memory_space<vmem>>
        %dma_start3A_21 = tpu.memref_squeeze %dma_start3A_20 : memref<1x128xi32, #tpu.memory_space<vmem>> -> memref<128xi32, #tpu.memory_space<vmem>>
        %dma_start3A_22 = arith.constant 0 : i32
        %dma_start3A_23 = arith.constant 0 : i32
        %dma_start3A_24 = tpu.memref_slice %arg8[%dma_start3A_22, %dma_start3A_23] : memref<10240x128xf32, #tpu.memory_space<vmem_shared>> -> memref<10240x128xf32, #tpu.memory_space<vmem_shared>>
        tpu.enqueue_indirect_dma source(%arg7 : memref<128x128xf32, #tpu.memory_space<vmem>>) target(%dma_start3A_24 : memref<10240x128xf32, #tpu.memory_space<vmem_shared>>) offsets(%dma_start3A_21 : memref<128xi32, #tpu.memory_space<vmem>>) semaphore(%run_scoped3A : memref<!tpu.dma_semaphore, #tpu.memory_space<semaphore_mem>>) {add = true}
        %dma_wait3A = arith.constant 0 : i32
        %dma_wait3A_25 = tpu.memref_slice %arg6[%while3A_19, %dma_wait3A] : memref<84x128xi32, #tpu.memory_space<vmem>> -> memref<1x128xi32, #tpu.memory_space<vmem>>
        %dma_wait3A_26 = tpu.memref_squeeze %dma_wait3A_25 : memref<1x128xi32, #tpu.memory_space<vmem>> -> memref<128xi32, #tpu.memory_space<vmem>>
        %dma_wait3A_27 = arith.constant 0 : i32
        %dma_wait3A_28 = arith.constant 0 : i32
        %dma_wait3A_29 = tpu.memref_slice %arg8[%dma_wait3A_27, %dma_wait3A_28] : memref<10240x128xf32, #tpu.memory_space<vmem_shared>> -> memref<10240x128xf32, #tpu.memory_space<vmem_shared>>
        tpu.wait_indirect_dma semaphore(%run_scoped3A : memref<!tpu.dma_semaphore, #tpu.memory_space<semaphore_mem>>) src(%arg7 : memref<128x128xf32, #tpu.memory_space<vmem>>) dst(%dma_wait3A_29 : memref<10240x128xf32, #tpu.memory_space<vmem_shared>>)
        tpu.yield
      }) : () -> ()
    }
    %while3A_13 = arith.constant 1 : i32
    scf.for %while3A_19 = %while3A_11 to %while3A_7 step %while3A_13  : i32 {
      "tpu.region"() ({
        %run_scoped3A = tpu.sem_alloc : memref<!tpu.dma_semaphore, #tpu.memory_space<semaphore_mem>>
        %dma_start3A = arith.constant 0 : i32
        %dma_start3A_20 = tpu.memref_slice %arg6[%while3A_19, %dma_start3A] : memref<84x128xi32, #tpu.memory_space<vmem>> -> memref<1x128xi32, #tpu.memory_space<vmem>>
        %dma_start3A_21 = tpu.memref_squeeze %dma_start3A_20 : memref<1x128xi32, #tpu.memory_space<vmem>> -> memref<128xi32, #tpu.memory_space<vmem>>
        %dma_start3A_22 = arith.constant 0 : i32
        %dma_start3A_23 = arith.constant 0 : i32
        %dma_start3A_24 = tpu.memref_slice %arg8[%dma_start3A_22, %dma_start3A_23] : memref<10240x128xf32, #tpu.memory_space<vmem_shared>> -> memref<10240x128xf32, #tpu.memory_space<vmem_shared>>
        tpu.enqueue_indirect_dma source(%arg7 : memref<128x128xf32, #tpu.memory_space<vmem>>) target(%dma_start3A_24 : memref<10240x128xf32, #tpu.memory_space<vmem_shared>>) offsets(%dma_start3A_21 : memref<128xi32, #tpu.memory_space<vmem>>) semaphore(%run_scoped3A : memref<!tpu.dma_semaphore, #tpu.memory_space<semaphore_mem>>) {add = true}
        %dma_wait3A = arith.constant 0 : i32
        %dma_wait3A_25 = tpu.memref_slice %arg6[%while3A_19, %dma_wait3A] : memref<84x128xi32, #tpu.memory_space<vmem>> -> memref<1x128xi32, #tpu.memory_space<vmem>>
        %dma_wait3A_26 = tpu.memref_squeeze %dma_wait3A_25 : memref<1x128xi32, #tpu.memory_space<vmem>> -> memref<128xi32, #tpu.memory_space<vmem>>
        %dma_wait3A_27 = arith.constant 0 : i32
        %dma_wait3A_28 = arith.constant 0 : i32
        %dma_wait3A_29 = tpu.memref_slice %arg8[%dma_wait3A_27, %dma_wait3A_28] : memref<10240x128xf32, #tpu.memory_space<vmem_shared>> -> memref<10240x128xf32, #tpu.memory_space<vmem_shared>>
        tpu.wait_indirect_dma semaphore(%run_scoped3A : memref<!tpu.dma_semaphore, #tpu.memory_space<semaphore_mem>>) src(%arg7 : memref<128x128xf32, #tpu.memory_space<vmem>>) dst(%dma_wait3A_29 : memref<10240x128xf32, #tpu.memory_space<vmem_shared>>)
        tpu.yield
      }) : () -> ()
    }
    %barrier3A_14 = arith.constant 0 : index
    tpu.barrier barrier_id(%barrier3A_14)
    %mul3A_15 = arith.constant 640 : i32
    %mul3A_16 = arith.muli %arg1, %mul3A_15 : i32
    %mul3A_17 = arith.constant 640 : i32
    %mul3A_18 = arith.muli %arg1, %mul3A_17 : i32
    "tpu.region"() ({
      %run_scoped3A = tpu.sem_alloc : memref<!tpu.dma_semaphore, #tpu.memory_space<semaphore_mem>>
      %dma_start3A = arith.constant 0 : i32
      %dma_start3A_19 = tpu.memref_slice %arg5[%arg0, %mul3A_18, %dma_start3A] : memref<2x10240x128xf32, #tpu.memory_space<hbm>> -> memref<1x640x128xf32, #tpu.memory_space<hbm>>
      %dma_start3A_20 = tpu.memref_squeeze %dma_start3A_19 : memref<1x640x128xf32, #tpu.memory_space<hbm>> -> memref<640x128xf32, #tpu.memory_space<hbm>>
      %dma_start3A_21 = arith.constant 0 : i32
      %dma_start3A_22 = tpu.memref_slice %arg8[%mul3A_16, %dma_start3A_21] : memref<10240x128xf32, #tpu.memory_space<vmem_shared>> -> memref<640x128xf32, #tpu.memory_space<vmem_shared>>
      tpu.enqueue_dma source(%dma_start3A_22 : memref<640x128xf32, #tpu.memory_space<vmem_shared>>) target(%dma_start3A_20 : memref<640x128xf32, #tpu.memory_space<hbm>>) target_semaphore(%run_scoped3A : memref<!tpu.dma_semaphore, #tpu.memory_space<semaphore_mem>>)
      %dma_wait3A = arith.constant 0 : i32
      %dma_wait3A_23 = tpu.memref_slice %arg5[%arg0, %mul3A_18, %dma_wait3A] : memref<2x10240x128xf32, #tpu.memory_space<hbm>> -> memref<1x640x128xf32, #tpu.memory_space<hbm>>
      %dma_wait3A_24 = tpu.memref_squeeze %dma_wait3A_23 : memref<1x640x128xf32, #tpu.memory_space<hbm>> -> memref<640x128xf32, #tpu.memory_space<hbm>>
      %dma_wait3A_25 = arith.constant 0 : i32
      %dma_wait3A_26 = tpu.memref_slice %arg8[%mul3A_16, %dma_wait3A_25] : memref<10240x128xf32, #tpu.memory_space<vmem_shared>> -> memref<640x128xf32, #tpu.memory_space<vmem_shared>>
      tpu.wait_dma2 semaphore(%run_scoped3A : memref<!tpu.dma_semaphore, #tpu.memory_space<semaphore_mem>>) src(%dma_wait3A_26 : memref<640x128xf32, #tpu.memory_space<vmem_shared>>) dst(%dma_wait3A_24 : memref<640x128xf32, #tpu.memory_space<hbm>>)
      tpu.yield
    }) : () -> ()
    return
  }
}

module attributes {stable_mosaic.version = 14 : i64} {
  func.func @_prep_body(%arg0: i32, %arg1: memref<1280x128xf32, #tpu.memory_space<vmem>>, %arg2: memref<128x128xf32, #tpu.memory_space<vmem>>, %arg3: memref<2x1280x16xf32, #tpu.memory_space<vmem>>, %arg4: memref<1280x128xf32, #tpu.memory_space<vmem>>) attributes {dimension_semantics = [#tpu.dimension_semantics<arbitrary>], iteration_bounds = array<i64: 8>, scalar_prefetch = 0 : i64, scratch_operands = 0 : i64, tpu.core_type = #tpu.core_type<tc>, window_params = [{transform_indices = @transform_0, window_bounds = array<i64: 1280, 128>}, {pipeline_mode = #tpu.pipeline_mode<synchronous>, transform_indices = @transform_1, window_bounds = array<i64: 128, 128>}, {transform_indices = @transform_2, window_bounds = array<i64: 2, 1280, 16>}, {transform_indices = @transform_3, window_bounds = array<i64: 1280, 128>}]} {
    %get3A = arith.constant 0 : index
    %get3A_0 = arith.constant 0 : index
    %get3A_1 = arith.constant 0 : index
    %get3A_2 = vector.load %arg3[%get3A, %get3A_0, %get3A_1] : memref<2x1280x16xf32, #tpu.memory_space<vmem>>, vector<2x1280x16xf32>
    %slice3A = vector.extract_strided_slice %get3A_2 {offsets = [0, 0, 0], sizes = [1, 1280, 1], strides = [1, 1, 1]} : vector<2x1280x16xf32> to vector<1x1280x1xf32>
    %squeeze3A = vector.shape_cast %slice3A : vector<1x1280x1xf32> to vector<1280x1xf32>
    %slice3A_3 = vector.extract_strided_slice %get3A_2 {offsets = [1, 0, 0], sizes = [1, 1280, 1], strides = [1, 1, 1]} : vector<2x1280x16xf32> to vector<1x1280x1xf32>
    %squeeze3A_4 = vector.shape_cast %slice3A_3 : vector<1x1280x1xf32> to vector<1280x1xf32>
    %add3A = arith.addf %squeeze3A, %squeeze3A_4 : vector<1280x1xf32>
    %add3A_5 = arith.constant 1.000000e+00 : f32
    %add3A_6 = vector.broadcast %add3A_5 : f32 to vector<1280x1xf32>
    %add3A_7 = arith.addf %add3A, %add3A_6 : vector<1280x1xf32>
    %rsqrt3A = math.rsqrt %add3A_7 : vector<1280x1xf32>
    %get3A_8 = arith.constant 0 : index
    %get3A_9 = arith.constant 0 : index
    %get3A_10 = vector.load %arg1[%get3A_8, %get3A_9] : memref<1280x128xf32, #tpu.memory_space<vmem>>, vector<1280x128xf32>
    %get3A_11 = arith.constant 0 : index
    %get3A_12 = arith.constant 0 : index
    %get3A_13 = vector.load %arg2[%get3A_11, %get3A_12] : memref<128x128xf32, #tpu.memory_space<vmem>>, vector<128x128xf32>
    %dot_general3A = arith.constant dense<0.000000e+00> : vector<1280x128xf32>
    %dot_general3A_14 = tpu.matmul %get3A_10, %get3A_13, %dot_general3A {dimension_numbers = #tpu.dot_dimension_numbers<[1], [0], [0], [1], [0, 0, 1, 1], [], []>, transpose_lhs_hint = false} : vector<1280x128xf32>, vector<128x128xf32>, vector<1280x128xf32> -> vector<1280x128xf32>
    %mul3A = vector.broadcast %rsqrt3A : vector<1280x1xf32> to vector<1280x128xf32>
    %mul3A_15 = arith.mulf %dot_general3A_14, %mul3A : vector<1280x128xf32>
    %swap3A = arith.constant 0 : index
    %swap3A_16 = arith.constant 0 : index
    %swap3A_17 = vector.load %arg4[%swap3A, %swap3A_16] : memref<1280x128xf32, #tpu.memory_space<vmem>>, vector<1280x128xf32>
    tpu.vector_store %arg4[%swap3A, %swap3A_16], %mul3A_15 {strides = array<i32>} : memref<1280x128xf32, #tpu.memory_space<vmem>>, vector<1280x128xf32>,
    return
  }
  func.func @transform_0(%arg0: i32) -> (i32, i32) {
    %c0_i32 = arith.constant 0 : i32
    %c0_i32_0 = arith.constant 0 : i32
    return %arg0, %c0_i32 : i32, i32
  }
  func.func @transform_1(%arg0: i32) -> (i32, i32) {
    %c0_i32 = arith.constant 0 : i32
    %c0_i32_0 = arith.constant 0 : i32
    %c0_i32_1 = arith.constant 0 : i32
    return %c0_i32, %c0_i32_0 : i32, i32
  }
  func.func @transform_2(%arg0: i32) -> (i32, i32, i32) {
    %c0_i32 = arith.constant 0 : i32
    %c0_i32_0 = arith.constant 0 : i32
    %c0_i32_1 = arith.constant 0 : i32
    return %c0_i32, %arg0, %c0_i32_0 : i32, i32, i32
  }
  func.func @transform_3(%arg0: i32) -> (i32, i32) {
    %c0_i32 = arith.constant 0 : i32
    %c0_i32_0 = arith.constant 0 : i32
    return %arg0, %c0_i32 : i32, i32
  }
}

module attributes {stable_mosaic.version = 14 : i64} {
  func.func @_mid_body(%arg0: i32, %arg1: memref<2x1280x128xf32, #tpu.memory_space<vmem>>, %arg2: memref<1280x128xf32, #tpu.memory_space<vmem>>, %arg3: memref<2x1280x16xf32, #tpu.memory_space<vmem>>, %arg4: memref<1x128xf32, #tpu.memory_space<vmem>>, %arg5: memref<128x128xf32, #tpu.memory_space<vmem>>, %arg6: memref<1280x128xf32, #tpu.memory_space<vmem>>, %arg7: memref<1280x128xf32, #tpu.memory_space<vmem>>) attributes {dimension_semantics = [#tpu.dimension_semantics<arbitrary>], iteration_bounds = array<i64: 8>, scalar_prefetch = 0 : i64, scratch_operands = 0 : i64, tpu.core_type = #tpu.core_type<tc>, window_params = [{transform_indices = @transform_0, window_bounds = array<i64: 2, 1280, 128>}, {transform_indices = @transform_1, window_bounds = array<i64: 1280, 128>}, {transform_indices = @transform_2, window_bounds = array<i64: 2, 1280, 16>}, {pipeline_mode = #tpu.pipeline_mode<synchronous>, transform_indices = @transform_3, window_bounds = array<i64: 1, 128>}, {pipeline_mode = #tpu.pipeline_mode<synchronous>, transform_indices = @transform_4, window_bounds = array<i64: 128, 128>}, {transform_indices = @transform_5, window_bounds = array<i64: 1280, 128>}, {transform_indices = @transform_6, window_bounds = array<i64: 1280, 128>}]} {
    %get3A = arith.constant 0 : index
    %get3A_0 = arith.constant 0 : index
    %get3A_1 = arith.constant 0 : index
    %get3A_2 = vector.load %arg3[%get3A, %get3A_0, %get3A_1] : memref<2x1280x16xf32, #tpu.memory_space<vmem>>, vector<2x1280x16xf32>
    %slice3A = vector.extract_strided_slice %get3A_2 {offsets = [0, 0, 0], sizes = [1, 1280, 1], strides = [1, 1, 1]} : vector<2x1280x16xf32> to vector<1x1280x1xf32>
    %squeeze3A = vector.shape_cast %slice3A : vector<1x1280x1xf32> to vector<1280x1xf32>
    %slice3A_3 = vector.extract_strided_slice %get3A_2 {offsets = [1, 0, 0], sizes = [1, 1280, 1], strides = [1, 1, 1]} : vector<2x1280x16xf32> to vector<1x1280x1xf32>
    %squeeze3A_4 = vector.shape_cast %slice3A_3 : vector<1x1280x1xf32> to vector<1280x1xf32>
    %add3A = arith.addf %squeeze3A, %squeeze3A_4 : vector<1280x1xf32>
    %add3A_5 = arith.constant 1.000000e+00 : f32
    %add3A_6 = vector.broadcast %add3A_5 : f32 to vector<1280x1xf32>
    %add3A_7 = arith.addf %add3A, %add3A_6 : vector<1280x1xf32>
    %rsqrt3A = math.rsqrt %add3A_7 : vector<1280x1xf32>
    %get3A_8 = arith.constant 0 : index
    %get3A_9 = arith.constant 0 : index
    %get3A_10 = arith.constant 0 : index
    %get3A_11 = vector.load %arg1[%get3A_8, %get3A_9, %get3A_10] : memref<2x1280x128xf32, #tpu.memory_space<vmem>>, vector<1x1280x128xf32>
    %get3A_12 = vector.shape_cast %get3A_11 : vector<1x1280x128xf32> to vector<1280x128xf32>
    %get3A_13 = arith.constant 1 : index
    %get3A_14 = arith.constant 0 : index
    %get3A_15 = arith.constant 0 : index
    %get3A_16 = vector.load %arg1[%get3A_13, %get3A_14, %get3A_15] : memref<2x1280x128xf32, #tpu.memory_space<vmem>>, vector<1x1280x128xf32>
    %get3A_17 = vector.shape_cast %get3A_16 : vector<1x1280x128xf32> to vector<1280x128xf32>
    %add3A_18 = arith.addf %get3A_12, %get3A_17 : vector<1280x128xf32>
    %get3A_19 = arith.constant 0 : index
    %get3A_20 = arith.constant 0 : index
    %get3A_21 = vector.load %arg2[%get3A_19, %get3A_20] : memref<1280x128xf32, #tpu.memory_space<vmem>>, vector<1280x128xf32>
    %add3A_22 = arith.addf %add3A_18, %get3A_21 : vector<1280x128xf32>
    %mul3A = vector.broadcast %rsqrt3A : vector<1280x1xf32> to vector<1280x128xf32>
    %mul3A_23 = arith.mulf %mul3A, %add3A_22 : vector<1280x128xf32>
    %get3A_24 = arith.constant 0 : index
    %get3A_25 = arith.constant 0 : index
    %get3A_26 = vector.load %arg4[%get3A_24, %get3A_25] : memref<1x128xf32, #tpu.memory_space<vmem>>, vector<1x128xf32>
    %add3A_27 = vector.broadcast %get3A_26 : vector<1x128xf32> to vector<1280x128xf32>
    %add3A_28 = arith.addf %mul3A_23, %add3A_27 : vector<1280x128xf32>
    %max3A = arith.constant 0.000000e+00 : f32
    %max3A_29 = vector.broadcast %max3A : f32 to vector<1280x128xf32>
    %max3A_30 = arith.maximumf %add3A_28, %max3A_29 : vector<1280x128xf32>
    %mul3A_31 = arith.constant 1280 : i32
    %mul3A_32 = arith.muli %arg0, %mul3A_31 : i32
    %iota3A = tpu.iota {dimensions = array<i32: 0>} : vector<1280x1xi32>
    %add3A_33 = vector.broadcast %mul3A_32 : i32 to vector<1280x1xi32>
    %add3A_34 = arith.addi %add3A_33, %iota3A : vector<1280x1xi32>
    %lt3A = arith.constant 10000 : i32
    %lt3A_35 = vector.broadcast %lt3A : i32 to vector<1280x1xi32>
    %lt3A_36 = arith.cmpi slt, %add3A_34, %lt3A_35 : vector<1280x1xi32>
    %jit3A = arith.constant 0.000000e+00 : f32
    %broadcast_in_dim3A = vector.shape_cast %lt3A_36 : vector<1280x1xi1> to vector<1280x1xi1>
    %broadcast_in_dim3A_37 = vector.broadcast %broadcast_in_dim3A : vector<1280x1xi1> to vector<1280x128xi1>
    %broadcast_in_dim3A_38 = vector.broadcast %jit3A : f32 to vector<1280x128xf32>
    %select_n3A = arith.select %broadcast_in_dim3A_37, %max3A_30, %broadcast_in_dim3A_38 : vector<1280x128xi1>, vector<1280x128xf32>
    %swap3A = arith.constant 0 : index
    %swap3A_39 = arith.constant 0 : index
    %swap3A_40 = vector.load %arg6[%swap3A, %swap3A_39] : memref<1280x128xf32, #tpu.memory_space<vmem>>, vector<1280x128xf32>
    tpu.vector_store %arg6[%swap3A, %swap3A_39], %select_n3A {strides = array<i32>} : memref<1280x128xf32, #tpu.memory_space<vmem>>, vector<1280x128xf32>,
    %get3A_41 = arith.constant 0 : index
    %get3A_42 = arith.constant 0 : index
    %get3A_43 = vector.load %arg5[%get3A_41, %get3A_42] : memref<128x128xf32, #tpu.memory_space<vmem>>, vector<128x128xf32>
    %dot_general3A = arith.constant dense<0.000000e+00> : vector<1280x128xf32>
    %dot_general3A_44 = tpu.matmul %select_n3A, %get3A_43, %dot_general3A {dimension_numbers = #tpu.dot_dimension_numbers<[1], [0], [0], [1], [0, 0, 1, 1], [], []>, transpose_lhs_hint = false} : vector<1280x128xf32>, vector<128x128xf32>, vector<1280x128xf32> -> vector<1280x128xf32>
    %mul3A_45 = vector.broadcast %rsqrt3A : vector<1280x1xf32> to vector<1280x128xf32>
    %mul3A_46 = arith.mulf %dot_general3A_44, %mul3A_45 : vector<1280x128xf32>
    %swap3A_47 = arith.constant 0 : index
    %swap3A_48 = arith.constant 0 : index
    %swap3A_49 = vector.load %arg7[%swap3A_47, %swap3A_48] : memref<1280x128xf32, #tpu.memory_space<vmem>>, vector<1280x128xf32>
    tpu.vector_store %arg7[%swap3A_47, %swap3A_48], %mul3A_46 {strides = array<i32>} : memref<1280x128xf32, #tpu.memory_space<vmem>>, vector<1280x128xf32>,
    return
  }
  func.func @transform_0(%arg0: i32) -> (i32, i32, i32) {
    %c0_i32 = arith.constant 0 : i32
    %c0_i32_0 = arith.constant 0 : i32
    %c0_i32_1 = arith.constant 0 : i32
    return %c0_i32, %arg0, %c0_i32_0 : i32, i32, i32
  }
  func.func @transform_1(%arg0: i32) -> (i32, i32) {
    %c0_i32 = arith.constant 0 : i32
    %c0_i32_0 = arith.constant 0 : i32
    return %arg0, %c0_i32 : i32, i32
  }
  func.func @transform_2(%arg0: i32) -> (i32, i32, i32) {
    %c0_i32 = arith.constant 0 : i32
    %c0_i32_0 = arith.constant 0 : i32
    %c0_i32_1 = arith.constant 0 : i32
    return %c0_i32, %arg0, %c0_i32_0 : i32, i32, i32
  }
  func.func @transform_3(%arg0: i32) -> (i32, i32) {
    %c0_i32 = arith.constant 0 : i32
    %c0_i32_0 = arith.constant 0 : i32
    %c0_i32_1 = arith.constant 0 : i32
    return %c0_i32, %c0_i32_0 : i32, i32
  }
  func.func @transform_4(%arg0: i32) -> (i32, i32) {
    %c0_i32 = arith.constant 0 : i32
    %c0_i32_0 = arith.constant 0 : i32
    %c0_i32_1 = arith.constant 0 : i32
    return %c0_i32, %c0_i32_0 : i32, i32
  }
  func.func @transform_5(%arg0: i32) -> (i32, i32) {
    %c0_i32 = arith.constant 0 : i32
    %c0_i32_0 = arith.constant 0 : i32
    return %arg0, %c0_i32 : i32, i32
  }
  func.func @transform_6(%arg0: i32) -> (i32, i32) {
    %c0_i32 = arith.constant 0 : i32
    %c0_i32_0 = arith.constant 0 : i32
    return %arg0, %c0_i32 : i32, i32
  }
}

module attributes {stable_mosaic.version = 14 : i64} {
  func.func @_mid_last_body(%arg0: i32, %arg1: memref<2x1280x128xf32, #tpu.memory_space<vmem>>, %arg2: memref<1280x128xf32, #tpu.memory_space<vmem>>, %arg3: memref<2x1280x16xf32, #tpu.memory_space<vmem>>, %arg4: memref<1x128xf32, #tpu.memory_space<vmem>>, %arg5: memref<1280x128xf32, #tpu.memory_space<vmem>>) attributes {dimension_semantics = [#tpu.dimension_semantics<arbitrary>], iteration_bounds = array<i64: 8>, scalar_prefetch = 0 : i64, scratch_operands = 0 : i64, tpu.core_type = #tpu.core_type<tc>, window_params = [{transform_indices = @transform_0, window_bounds = array<i64: 2, 1280, 128>}, {transform_indices = @transform_1, window_bounds = array<i64: 1280, 128>}, {transform_indices = @transform_2, window_bounds = array<i64: 2, 1280, 16>}, {pipeline_mode = #tpu.pipeline_mode<synchronous>, transform_indices = @transform_3, window_bounds = array<i64: 1, 128>}, {transform_indices = @transform_4, window_bounds = array<i64: 1280, 128>}]} {
    %get3A = arith.constant 0 : index
    %get3A_0 = arith.constant 0 : index
    %get3A_1 = arith.constant 0 : index
    %get3A_2 = vector.load %arg3[%get3A, %get3A_0, %get3A_1] : memref<2x1280x16xf32, #tpu.memory_space<vmem>>, vector<2x1280x16xf32>
    %slice3A = vector.extract_strided_slice %get3A_2 {offsets = [0, 0, 0], sizes = [1, 1280, 1], strides = [1, 1, 1]} : vector<2x1280x16xf32> to vector<1x1280x1xf32>
    %squeeze3A = vector.shape_cast %slice3A : vector<1x1280x1xf32> to vector<1280x1xf32>
    %slice3A_3 = vector.extract_strided_slice %get3A_2 {offsets = [1, 0, 0], sizes = [1, 1280, 1], strides = [1, 1, 1]} : vector<2x1280x16xf32> to vector<1x1280x1xf32>
    %squeeze3A_4 = vector.shape_cast %slice3A_3 : vector<1x1280x1xf32> to vector<1280x1xf32>
    %add3A = arith.addf %squeeze3A, %squeeze3A_4 : vector<1280x1xf32>
    %add3A_5 = arith.constant 1.000000e+00 : f32
    %add3A_6 = vector.broadcast %add3A_5 : f32 to vector<1280x1xf32>
    %add3A_7 = arith.addf %add3A, %add3A_6 : vector<1280x1xf32>
    %rsqrt3A = math.rsqrt %add3A_7 : vector<1280x1xf32>
    %get3A_8 = arith.constant 0 : index
    %get3A_9 = arith.constant 0 : index
    %get3A_10 = arith.constant 0 : index
    %get3A_11 = vector.load %arg1[%get3A_8, %get3A_9, %get3A_10] : memref<2x1280x128xf32, #tpu.memory_space<vmem>>, vector<1x1280x128xf32>
    %get3A_12 = vector.shape_cast %get3A_11 : vector<1x1280x128xf32> to vector<1280x128xf32>
    %get3A_13 = arith.constant 1 : index
    %get3A_14 = arith.constant 0 : index
    %get3A_15 = arith.constant 0 : index
    %get3A_16 = vector.load %arg1[%get3A_13, %get3A_14, %get3A_15] : memref<2x1280x128xf32, #tpu.memory_space<vmem>>, vector<1x1280x128xf32>
    %get3A_17 = vector.shape_cast %get3A_16 : vector<1x1280x128xf32> to vector<1280x128xf32>
    %add3A_18 = arith.addf %get3A_12, %get3A_17 : vector<1280x128xf32>
    %get3A_19 = arith.constant 0 : index
    %get3A_20 = arith.constant 0 : index
    %get3A_21 = vector.load %arg2[%get3A_19, %get3A_20] : memref<1280x128xf32, #tpu.memory_space<vmem>>, vector<1280x128xf32>
    %add3A_22 = arith.addf %add3A_18, %get3A_21 : vector<1280x128xf32>
    %mul3A = vector.broadcast %rsqrt3A : vector<1280x1xf32> to vector<1280x128xf32>
    %mul3A_23 = arith.mulf %mul3A, %add3A_22 : vector<1280x128xf32>
    %get3A_24 = arith.constant 0 : index
    %get3A_25 = arith.constant 0 : index
    %get3A_26 = vector.load %arg4[%get3A_24, %get3A_25] : memref<1x128xf32, #tpu.memory_space<vmem>>, vector<1x128xf32>
    %add3A_27 = vector.broadcast %get3A_26 : vector<1x128xf32> to vector<1280x128xf32>
    %add3A_28 = arith.addf %mul3A_23, %add3A_27 : vector<1280x128xf32>
    %max3A = arith.constant 0.000000e+00 : f32
    %max3A_29 = vector.broadcast %max3A : f32 to vector<1280x128xf32>
    %max3A_30 = arith.maximumf %add3A_28, %max3A_29 : vector<1280x128xf32>
    %mul3A_31 = arith.constant 1280 : i32
    %mul3A_32 = arith.muli %arg0, %mul3A_31 : i32
    %iota3A = tpu.iota {dimensions = array<i32: 0>} : vector<1280x1xi32>
    %add3A_33 = vector.broadcast %mul3A_32 : i32 to vector<1280x1xi32>
    %add3A_34 = arith.addi %add3A_33, %iota3A : vector<1280x1xi32>
    %lt3A = arith.constant 10000 : i32
    %lt3A_35 = vector.broadcast %lt3A : i32 to vector<1280x1xi32>
    %lt3A_36 = arith.cmpi slt, %add3A_34, %lt3A_35 : vector<1280x1xi32>
    %jit3A = arith.constant 0.000000e+00 : f32
    %broadcast_in_dim3A = vector.shape_cast %lt3A_36 : vector<1280x1xi1> to vector<1280x1xi1>
    %broadcast_in_dim3A_37 = vector.broadcast %broadcast_in_dim3A : vector<1280x1xi1> to vector<1280x128xi1>
    %broadcast_in_dim3A_38 = vector.broadcast %jit3A : f32 to vector<1280x128xf32>
    %select_n3A = arith.select %broadcast_in_dim3A_37, %max3A_30, %broadcast_in_dim3A_38 : vector<1280x128xi1>, vector<1280x128xf32>
    %swap3A = arith.constant 0 : index
    %swap3A_39 = arith.constant 0 : index
    %swap3A_40 = vector.load %arg5[%swap3A, %swap3A_39] : memref<1280x128xf32, #tpu.memory_space<vmem>>, vector<1280x128xf32>
    tpu.vector_store %arg5[%swap3A, %swap3A_39], %select_n3A {strides = array<i32>} : memref<1280x128xf32, #tpu.memory_space<vmem>>, vector<1280x128xf32>,
    return
  }
  func.func @transform_0(%arg0: i32) -> (i32, i32, i32) {
    %c0_i32 = arith.constant 0 : i32
    %c0_i32_0 = arith.constant 0 : i32
    %c0_i32_1 = arith.constant 0 : i32
    return %c0_i32, %arg0, %c0_i32_0 : i32, i32, i32
  }
  func.func @transform_1(%arg0: i32) -> (i32, i32) {
    %c0_i32 = arith.constant 0 : i32
    %c0_i32_0 = arith.constant 0 : i32
    return %arg0, %c0_i32 : i32, i32
  }
  func.func @transform_2(%arg0: i32) -> (i32, i32, i32) {
    %c0_i32 = arith.constant 0 : i32
    %c0_i32_0 = arith.constant 0 : i32
    %c0_i32_1 = arith.constant 0 : i32
    return %c0_i32, %arg0, %c0_i32_0 : i32, i32, i32
  }
  func.func @transform_3(%arg0: i32) -> (i32, i32) {
    %c0_i32 = arith.constant 0 : i32
    %c0_i32_0 = arith.constant 0 : i32
    %c0_i32_1 = arith.constant 0 : i32
    return %c0_i32, %c0_i32_0 : i32, i32
  }
  func.func @transform_4(%arg0: i32) -> (i32, i32) {
    %c0_i32 = arith.constant 0 : i32
    %c0_i32_0 = arith.constant 0 : i32
    return %arg0, %c0_i32 : i32, i32
  }
}

module attributes {stable_mosaic.version = 14 : i64} {
  func.func @_pool_body(%arg0: i32, %arg1: memref<10x1x128xi32, #tpu.memory_space<vmem>>, %arg2: memref<1280x128xf32, #tpu.memory_space<vmem>>, %arg3: memref<1280x128xf32, #tpu.memory_space<vmem>>, %arg4: memref<1280x128xf32, #tpu.memory_space<vmem>>, %arg5: memref<384x128xf32, #tpu.memory_space<vmem>>, %arg6: memref<1x128xf32, #tpu.memory_space<vmem>>, %arg7: memref<128x32xf32, #tpu.memory_space<vmem>>, %arg8: memref<1x32xf32, #tpu.memory_space<vmem>>, %arg9: memref<64x32xf32, #tpu.memory_space<vmem>>, %arg10: memref<64x384xf32, #tpu.memory_space<vmem>>, %arg11: memref<64x128xf32, #tpu.memory_space<vmem>>) attributes {dimension_semantics = [#tpu.dimension_semantics<arbitrary>], iteration_bounds = array<i64: 8>, scalar_prefetch = 0 : i64, scratch_operands = 2 : i64, tpu.core_type = #tpu.core_type<tc>, window_params = [{transform_indices = @transform_0, window_bounds = array<i64: 10, 1, 128>}, {transform_indices = @transform_1, window_bounds = array<i64: 1280, 128>}, {transform_indices = @transform_2, window_bounds = array<i64: 1280, 128>}, {transform_indices = @transform_3, window_bounds = array<i64: 1280, 128>}, {pipeline_mode = #tpu.pipeline_mode<synchronous>, transform_indices = @transform_4, window_bounds = array<i64: 384, 128>}, {pipeline_mode = #tpu.pipeline_mode<synchronous>, transform_indices = @transform_5, window_bounds = array<i64: 1, 128>}, {pipeline_mode = #tpu.pipeline_mode<synchronous>, transform_indices = @transform_6, window_bounds = array<i64: 128, 32>}, {pipeline_mode = #tpu.pipeline_mode<synchronous>, transform_indices = @transform_7, window_bounds = array<i64: 1, 32>}, {pipeline_mode = #tpu.pipeline_mode<synchronous>, transform_indices = @transform_8, window_bounds = array<i64: 64, 32>}]} {
    %eq3A = arith.constant 0 : i32
    %eq3A_0 = arith.cmpi eq, %arg0, %eq3A : i32
    %convert_element_type3A = arith.extui %eq3A_0 : i1 to i32
    %cond3A = arith.constant 0 : i32
    %cond3A_1 = arith.cmpi ne, %convert_element_type3A, %cond3A : i32
    scf.if %cond3A_1 {
      %broadcast_in_dim3A = arith.constant 0.000000e+00 : f32
      %broadcast_in_dim3A_273 = vector.broadcast %broadcast_in_dim3A : f32 to vector<64x384xf32>
      %swap3A_274 = arith.constant 0 : index
      %swap3A_275 = arith.constant 0 : index
      %swap3A_276 = vector.load %arg10[%swap3A_274, %swap3A_275] : memref<64x384xf32, #tpu.memory_space<vmem>>, vector<64x384xf32>
      tpu.vector_store %arg10[%swap3A_274, %swap3A_275], %broadcast_in_dim3A_273 {strides = array<i32>} : memref<64x384xf32, #tpu.memory_space<vmem>>, vector<64x384xf32>,
      %broadcast_in_dim3A_277 = arith.constant 0.000000e+00 : f32
      %broadcast_in_dim3A_278 = vector.broadcast %broadcast_in_dim3A_277 : f32 to vector<64x128xf32>
      %swap3A_279 = arith.constant 0 : index
      %swap3A_280 = arith.constant 0 : index
      %swap3A_281 = vector.load %arg11[%swap3A_279, %swap3A_280] : memref<64x128xf32, #tpu.memory_space<vmem>>, vector<64x128xf32>
      tpu.vector_store %arg11[%swap3A_279, %swap3A_280], %broadcast_in_dim3A_278 {strides = array<i32>} : memref<64x128xf32, #tpu.memory_space<vmem>>, vector<64x128xf32>,
    } else {
    }
    %get3A = arith.constant 0 : index
    %get3A_2 = arith.constant 0 : index
    %get3A_3 = arith.constant 0 : index
    %get3A_4 = vector.load %arg1[%get3A, %get3A_2, %get3A_3] : memref<10x1x128xi32, #tpu.memory_space<vmem>>, vector<10x1x128xi32>
    %get3A_5 = arith.constant 0 : index
    %get3A_6 = arith.constant 0 : index
    %get3A_7 = vector.load %arg2[%get3A_5, %get3A_6] : memref<1280x128xf32, #tpu.memory_space<vmem>>, vector<1280x128xf32>
    %get3A_8 = arith.constant 0 : index
    %get3A_9 = arith.constant 0 : index
    %get3A_10 = vector.load %arg3[%get3A_8, %get3A_9] : memref<1280x128xf32, #tpu.memory_space<vmem>>, vector<1280x128xf32>
    %get3A_11 = arith.constant 0 : index
    %get3A_12 = arith.constant 0 : index
    %get3A_13 = vector.load %arg4[%get3A_11, %get3A_12] : memref<1280x128xf32, #tpu.memory_space<vmem>>, vector<1280x128xf32>
    %iota3A = tpu.iota {dimensions = array<i32: 0>} : vector<64x128xi32>
    %slice3A = vector.extract_strided_slice %get3A_4 {offsets = [0, 0, 0], sizes = [1, 1, 128], strides = [1, 1, 1]} : vector<10x1x128xi32> to vector<1x1x128xi32>
    %squeeze3A = vector.shape_cast %slice3A : vector<1x1x128xi32> to vector<1x128xi32>
    %eq3A_14 = vector.broadcast %squeeze3A : vector<1x128xi32> to vector<64x128xi32>
    %eq3A_15 = arith.cmpi eq, %iota3A, %eq3A_14 : vector<64x128xi32>
    %convert_element_type3A_16 = arith.extui %eq3A_15 : vector<64x128xi1> to vector<64x128xi32>
    %convert_element_type3A_17 = arith.sitofp %convert_element_type3A_16 : vector<64x128xi32> to vector<64x128xf32>
    %slice3A_18 = vector.extract_strided_slice %get3A_7 {offsets = [0, 0], sizes = [128, 128], strides = [1, 1]} : vector<1280x128xf32> to vector<128x128xf32>
    %slice3A_19 = vector.extract_strided_slice %get3A_10 {offsets = [0, 0], sizes = [128, 128], strides = [1, 1]} : vector<1280x128xf32> to vector<128x128xf32>
    %slice3A_20 = vector.extract_strided_slice %get3A_13 {offsets = [0, 0], sizes = [128, 128], strides = [1, 1]} : vector<1280x128xf32> to vector<128x128xf32>
    %concatenate3A = tpu.concatenate %slice3A_18, %slice3A_19, %slice3A_20 in 1 : vector<128x128xf32>, vector<128x128xf32>, vector<128x128xf32> -> vector<128x384xf32>
    %get3A_21 = arith.constant 0 : index
    %get3A_22 = arith.constant 0 : index
    %get3A_23 = vector.load %arg10[%get3A_21, %get3A_22] : memref<64x384xf32, #tpu.memory_space<vmem>>, vector<64x384xf32>
    %dot_general3A = arith.constant dense<0.000000e+00> : vector<64x384xf32>
    %dot_general3A_24 = tpu.matmul %convert_element_type3A_17, %concatenate3A, %dot_general3A {dimension_numbers = #tpu.dot_dimension_numbers<[1], [0], [0], [1], [0, 0, 1, 1], [], []>, transpose_lhs_hint = false} : vector<64x128xf32>, vector<128x384xf32>, vector<64x384xf32> -> vector<64x384xf32>
    %add3A = arith.addf %get3A_23, %dot_general3A_24 : vector<64x384xf32>
    %swap3A = arith.constant 0 : index
    %swap3A_25 = arith.constant 0 : index
    %swap3A_26 = vector.load %arg10[%swap3A, %swap3A_25] : memref<64x384xf32, #tpu.memory_space<vmem>>, vector<64x384xf32>
    tpu.vector_store %arg10[%swap3A, %swap3A_25], %add3A {strides = array<i32>} : memref<64x384xf32, #tpu.memory_space<vmem>>, vector<64x384xf32>,
    %get3A_27 = arith.constant 0 : index
    %get3A_28 = arith.constant 0 : index
    %get3A_29 = vector.load %arg11[%get3A_27, %get3A_28] : memref<64x128xf32, #tpu.memory_space<vmem>>, vector<64x128xf32>
    %add3A_30 = arith.addf %get3A_29, %convert_element_type3A_17 : vector<64x128xf32>
    %swap3A_31 = arith.constant 0 : index
    %swap3A_32 = arith.constant 0 : index
    %swap3A_33 = vector.load %arg11[%swap3A_31, %swap3A_32] : memref<64x128xf32, #tpu.memory_space<vmem>>, vector<64x128xf32>
    tpu.vector_store %arg11[%swap3A_31, %swap3A_32], %add3A_30 {strides = array<i32>} : memref<64x128xf32, #tpu.memory_space<vmem>>, vector<64x128xf32>,
    %slice3A_34 = vector.extract_strided_slice %get3A_4 {offsets = [1, 0, 0], sizes = [1, 1, 128], strides = [1, 1, 1]} : vector<10x1x128xi32> to vector<1x1x128xi32>
    %squeeze3A_35 = vector.shape_cast %slice3A_34 : vector<1x1x128xi32> to vector<1x128xi32>
    %eq3A_36 = vector.broadcast %squeeze3A_35 : vector<1x128xi32> to vector<64x128xi32>
    %eq3A_37 = arith.cmpi eq, %iota3A, %eq3A_36 : vector<64x128xi32>
    %convert_element_type3A_38 = arith.extui %eq3A_37 : vector<64x128xi1> to vector<64x128xi32>
    %convert_element_type3A_39 = arith.sitofp %convert_element_type3A_38 : vector<64x128xi32> to vector<64x128xf32>
    %slice3A_40 = vector.extract_strided_slice %get3A_7 {offsets = [128, 0], sizes = [128, 128], strides = [1, 1]} : vector<1280x128xf32> to vector<128x128xf32>
    %slice3A_41 = vector.extract_strided_slice %get3A_10 {offsets = [128, 0], sizes = [128, 128], strides = [1, 1]} : vector<1280x128xf32> to vector<128x128xf32>
    %slice3A_42 = vector.extract_strided_slice %get3A_13 {offsets = [128, 0], sizes = [128, 128], strides = [1, 1]} : vector<1280x128xf32> to vector<128x128xf32>
    %concatenate3A_43 = tpu.concatenate %slice3A_40, %slice3A_41, %slice3A_42 in 1 : vector<128x128xf32>, vector<128x128xf32>, vector<128x128xf32> -> vector<128x384xf32>
    %get3A_44 = arith.constant 0 : index
    %get3A_45 = arith.constant 0 : index
    %get3A_46 = vector.load %arg10[%get3A_44, %get3A_45] : memref<64x384xf32, #tpu.memory_space<vmem>>, vector<64x384xf32>
    %dot_general3A_47 = arith.constant dense<0.000000e+00> : vector<64x384xf32>
    %dot_general3A_48 = tpu.matmul %convert_element_type3A_39, %concatenate3A_43, %dot_general3A_47 {dimension_numbers = #tpu.dot_dimension_numbers<[1], [0], [0], [1], [0, 0, 1, 1], [], []>, transpose_lhs_hint = false} : vector<64x128xf32>, vector<128x384xf32>, vector<64x384xf32> -> vector<64x384xf32>
    %add3A_49 = arith.addf %get3A_46, %dot_general3A_48 : vector<64x384xf32>
    %swap3A_50 = arith.constant 0 : index
    %swap3A_51 = arith.constant 0 : index
    %swap3A_52 = vector.load %arg10[%swap3A_50, %swap3A_51] : memref<64x384xf32, #tpu.memory_space<vmem>>, vector<64x384xf32>
    tpu.vector_store %arg10[%swap3A_50, %swap3A_51], %add3A_49 {strides = array<i32>} : memref<64x384xf32, #tpu.memory_space<vmem>>, vector<64x384xf32>,
    %get3A_53 = arith.constant 0 : index
    %get3A_54 = arith.constant 0 : index
    %get3A_55 = vector.load %arg11[%get3A_53, %get3A_54] : memref<64x128xf32, #tpu.memory_space<vmem>>, vector<64x128xf32>
    %add3A_56 = arith.addf %get3A_55, %convert_element_type3A_39 : vector<64x128xf32>
    %swap3A_57 = arith.constant 0 : index
    %swap3A_58 = arith.constant 0 : index
    %swap3A_59 = vector.load %arg11[%swap3A_57, %swap3A_58] : memref<64x128xf32, #tpu.memory_space<vmem>>, vector<64x128xf32>
    tpu.vector_store %arg11[%swap3A_57, %swap3A_58], %add3A_56 {strides = array<i32>} : memref<64x128xf32, #tpu.memory_space<vmem>>, vector<64x128xf32>,
    %slice3A_60 = vector.extract_strided_slice %get3A_4 {offsets = [2, 0, 0], sizes = [1, 1, 128], strides = [1, 1, 1]} : vector<10x1x128xi32> to vector<1x1x128xi32>
    %squeeze3A_61 = vector.shape_cast %slice3A_60 : vector<1x1x128xi32> to vector<1x128xi32>
    %eq3A_62 = vector.broadcast %squeeze3A_61 : vector<1x128xi32> to vector<64x128xi32>
    %eq3A_63 = arith.cmpi eq, %iota3A, %eq3A_62 : vector<64x128xi32>
    %convert_element_type3A_64 = arith.extui %eq3A_63 : vector<64x128xi1> to vector<64x128xi32>
    %convert_element_type3A_65 = arith.sitofp %convert_element_type3A_64 : vector<64x128xi32> to vector<64x128xf32>
    %slice3A_66 = vector.extract_strided_slice %get3A_7 {offsets = [256, 0], sizes = [128, 128], strides = [1, 1]} : vector<1280x128xf32> to vector<128x128xf32>
    %slice3A_67 = vector.extract_strided_slice %get3A_10 {offsets = [256, 0], sizes = [128, 128], strides = [1, 1]} : vector<1280x128xf32> to vector<128x128xf32>
    %slice3A_68 = vector.extract_strided_slice %get3A_13 {offsets = [256, 0], sizes = [128, 128], strides = [1, 1]} : vector<1280x128xf32> to vector<128x128xf32>
    %concatenate3A_69 = tpu.concatenate %slice3A_66, %slice3A_67, %slice3A_68 in 1 : vector<128x128xf32>, vector<128x128xf32>, vector<128x128xf32> -> vector<128x384xf32>
    %get3A_70 = arith.constant 0 : index
    %get3A_71 = arith.constant 0 : index
    %get3A_72 = vector.load %arg10[%get3A_70, %get3A_71] : memref<64x384xf32, #tpu.memory_space<vmem>>, vector<64x384xf32>
    %dot_general3A_73 = arith.constant dense<0.000000e+00> : vector<64x384xf32>
    %dot_general3A_74 = tpu.matmul %convert_element_type3A_65, %concatenate3A_69, %dot_general3A_73 {dimension_numbers = #tpu.dot_dimension_numbers<[1], [0], [0], [1], [0, 0, 1, 1], [], []>, transpose_lhs_hint = false} : vector<64x128xf32>, vector<128x384xf32>, vector<64x384xf32> -> vector<64x384xf32>
    %add3A_75 = arith.addf %get3A_72, %dot_general3A_74 : vector<64x384xf32>
    %swap3A_76 = arith.constant 0 : index
    %swap3A_77 = arith.constant 0 : index
    %swap3A_78 = vector.load %arg10[%swap3A_76, %swap3A_77] : memref<64x384xf32, #tpu.memory_space<vmem>>, vector<64x384xf32>
    tpu.vector_store %arg10[%swap3A_76, %swap3A_77], %add3A_75 {strides = array<i32>} : memref<64x384xf32, #tpu.memory_space<vmem>>, vector<64x384xf32>,
    %get3A_79 = arith.constant 0 : index
    %get3A_80 = arith.constant 0 : index
    %get3A_81 = vector.load %arg11[%get3A_79, %get3A_80] : memref<64x128xf32, #tpu.memory_space<vmem>>, vector<64x128xf32>
    %add3A_82 = arith.addf %get3A_81, %convert_element_type3A_65 : vector<64x128xf32>
    %swap3A_83 = arith.constant 0 : index
    %swap3A_84 = arith.constant 0 : index
    %swap3A_85 = vector.load %arg11[%swap3A_83, %swap3A_84] : memref<64x128xf32, #tpu.memory_space<vmem>>, vector<64x128xf32>
    tpu.vector_store %arg11[%swap3A_83, %swap3A_84], %add3A_82 {strides = array<i32>} : memref<64x128xf32, #tpu.memory_space<vmem>>, vector<64x128xf32>,
    %slice3A_86 = vector.extract_strided_slice %get3A_4 {offsets = [3, 0, 0], sizes = [1, 1, 128], strides = [1, 1, 1]} : vector<10x1x128xi32> to vector<1x1x128xi32>
    %squeeze3A_87 = vector.shape_cast %slice3A_86 : vector<1x1x128xi32> to vector<1x128xi32>
    %eq3A_88 = vector.broadcast %squeeze3A_87 : vector<1x128xi32> to vector<64x128xi32>
    %eq3A_89 = arith.cmpi eq, %iota3A, %eq3A_88 : vector<64x128xi32>
    %convert_element_type3A_90 = arith.extui %eq3A_89 : vector<64x128xi1> to vector<64x128xi32>
    %convert_element_type3A_91 = arith.sitofp %convert_element_type3A_90 : vector<64x128xi32> to vector<64x128xf32>
    %slice3A_92 = vector.extract_strided_slice %get3A_7 {offsets = [384, 0], sizes = [128, 128], strides = [1, 1]} : vector<1280x128xf32> to vector<128x128xf32>
    %slice3A_93 = vector.extract_strided_slice %get3A_10 {offsets = [384, 0], sizes = [128, 128], strides = [1, 1]} : vector<1280x128xf32> to vector<128x128xf32>
    %slice3A_94 = vector.extract_strided_slice %get3A_13 {offsets = [384, 0], sizes = [128, 128], strides = [1, 1]} : vector<1280x128xf32> to vector<128x128xf32>
    %concatenate3A_95 = tpu.concatenate %slice3A_92, %slice3A_93, %slice3A_94 in 1 : vector<128x128xf32>, vector<128x128xf32>, vector<128x128xf32> -> vector<128x384xf32>
    %get3A_96 = arith.constant 0 : index
    %get3A_97 = arith.constant 0 : index
    %get3A_98 = vector.load %arg10[%get3A_96, %get3A_97] : memref<64x384xf32, #tpu.memory_space<vmem>>, vector<64x384xf32>
    %dot_general3A_99 = arith.constant dense<0.000000e+00> : vector<64x384xf32>
    %dot_general3A_100 = tpu.matmul %convert_element_type3A_91, %concatenate3A_95, %dot_general3A_99 {dimension_numbers = #tpu.dot_dimension_numbers<[1], [0], [0], [1], [0, 0, 1, 1], [], []>, transpose_lhs_hint = false} : vector<64x128xf32>, vector<128x384xf32>, vector<64x384xf32> -> vector<64x384xf32>
    %add3A_101 = arith.addf %get3A_98, %dot_general3A_100 : vector<64x384xf32>
    %swap3A_102 = arith.constant 0 : index
    %swap3A_103 = arith.constant 0 : index
    %swap3A_104 = vector.load %arg10[%swap3A_102, %swap3A_103] : memref<64x384xf32, #tpu.memory_space<vmem>>, vector<64x384xf32>
    tpu.vector_store %arg10[%swap3A_102, %swap3A_103], %add3A_101 {strides = array<i32>} : memref<64x384xf32, #tpu.memory_space<vmem>>, vector<64x384xf32>,
    %get3A_105 = arith.constant 0 : index
    %get3A_106 = arith.constant 0 : index
    %get3A_107 = vector.load %arg11[%get3A_105, %get3A_106] : memref<64x128xf32, #tpu.memory_space<vmem>>, vector<64x128xf32>
    %add3A_108 = arith.addf %get3A_107, %convert_element_type3A_91 : vector<64x128xf32>
    %swap3A_109 = arith.constant 0 : index
    %swap3A_110 = arith.constant 0 : index
    %swap3A_111 = vector.load %arg11[%swap3A_109, %swap3A_110] : memref<64x128xf32, #tpu.memory_space<vmem>>, vector<64x128xf32>
    tpu.vector_store %arg11[%swap3A_109, %swap3A_110], %add3A_108 {strides = array<i32>} : memref<64x128xf32, #tpu.memory_space<vmem>>, vector<64x128xf32>,
    %slice3A_112 = vector.extract_strided_slice %get3A_4 {offsets = [4, 0, 0], sizes = [1, 1, 128], strides = [1, 1, 1]} : vector<10x1x128xi32> to vector<1x1x128xi32>
    %squeeze3A_113 = vector.shape_cast %slice3A_112 : vector<1x1x128xi32> to vector<1x128xi32>
    %eq3A_114 = vector.broadcast %squeeze3A_113 : vector<1x128xi32> to vector<64x128xi32>
    %eq3A_115 = arith.cmpi eq, %iota3A, %eq3A_114 : vector<64x128xi32>
    %convert_element_type3A_116 = arith.extui %eq3A_115 : vector<64x128xi1> to vector<64x128xi32>
    %convert_element_type3A_117 = arith.sitofp %convert_element_type3A_116 : vector<64x128xi32> to vector<64x128xf32>
    %slice3A_118 = vector.extract_strided_slice %get3A_7 {offsets = [512, 0], sizes = [128, 128], strides = [1, 1]} : vector<1280x128xf32> to vector<128x128xf32>
    %slice3A_119 = vector.extract_strided_slice %get3A_10 {offsets = [512, 0], sizes = [128, 128], strides = [1, 1]} : vector<1280x128xf32> to vector<128x128xf32>
    %slice3A_120 = vector.extract_strided_slice %get3A_13 {offsets = [512, 0], sizes = [128, 128], strides = [1, 1]} : vector<1280x128xf32> to vector<128x128xf32>
    %concatenate3A_121 = tpu.concatenate %slice3A_118, %slice3A_119, %slice3A_120 in 1 : vector<128x128xf32>, vector<128x128xf32>, vector<128x128xf32> -> vector<128x384xf32>
    %get3A_122 = arith.constant 0 : index
    %get3A_123 = arith.constant 0 : index
    %get3A_124 = vector.load %arg10[%get3A_122, %get3A_123] : memref<64x384xf32, #tpu.memory_space<vmem>>, vector<64x384xf32>
    %dot_general3A_125 = arith.constant dense<0.000000e+00> : vector<64x384xf32>
    %dot_general3A_126 = tpu.matmul %convert_element_type3A_117, %concatenate3A_121, %dot_general3A_125 {dimension_numbers = #tpu.dot_dimension_numbers<[1], [0], [0], [1], [0, 0, 1, 1], [], []>, transpose_lhs_hint = false} : vector<64x128xf32>, vector<128x384xf32>, vector<64x384xf32> -> vector<64x384xf32>
    %add3A_127 = arith.addf %get3A_124, %dot_general3A_126 : vector<64x384xf32>
    %swap3A_128 = arith.constant 0 : index
    %swap3A_129 = arith.constant 0 : index
    %swap3A_130 = vector.load %arg10[%swap3A_128, %swap3A_129] : memref<64x384xf32, #tpu.memory_space<vmem>>, vector<64x384xf32>
    tpu.vector_store %arg10[%swap3A_128, %swap3A_129], %add3A_127 {strides = array<i32>} : memref<64x384xf32, #tpu.memory_space<vmem>>, vector<64x384xf32>,
    %get3A_131 = arith.constant 0 : index
    %get3A_132 = arith.constant 0 : index
    %get3A_133 = vector.load %arg11[%get3A_131, %get3A_132] : memref<64x128xf32, #tpu.memory_space<vmem>>, vector<64x128xf32>
    %add3A_134 = arith.addf %get3A_133, %convert_element_type3A_117 : vector<64x128xf32>
    %swap3A_135 = arith.constant 0 : index
    %swap3A_136 = arith.constant 0 : index
    %swap3A_137 = vector.load %arg11[%swap3A_135, %swap3A_136] : memref<64x128xf32, #tpu.memory_space<vmem>>, vector<64x128xf32>
    tpu.vector_store %arg11[%swap3A_135, %swap3A_136], %add3A_134 {strides = array<i32>} : memref<64x128xf32, #tpu.memory_space<vmem>>, vector<64x128xf32>,
    %slice3A_138 = vector.extract_strided_slice %get3A_4 {offsets = [5, 0, 0], sizes = [1, 1, 128], strides = [1, 1, 1]} : vector<10x1x128xi32> to vector<1x1x128xi32>
    %squeeze3A_139 = vector.shape_cast %slice3A_138 : vector<1x1x128xi32> to vector<1x128xi32>
    %eq3A_140 = vector.broadcast %squeeze3A_139 : vector<1x128xi32> to vector<64x128xi32>
    %eq3A_141 = arith.cmpi eq, %iota3A, %eq3A_140 : vector<64x128xi32>
    %convert_element_type3A_142 = arith.extui %eq3A_141 : vector<64x128xi1> to vector<64x128xi32>
    %convert_element_type3A_143 = arith.sitofp %convert_element_type3A_142 : vector<64x128xi32> to vector<64x128xf32>
    %slice3A_144 = vector.extract_strided_slice %get3A_7 {offsets = [640, 0], sizes = [128, 128], strides = [1, 1]} : vector<1280x128xf32> to vector<128x128xf32>
    %slice3A_145 = vector.extract_strided_slice %get3A_10 {offsets = [640, 0], sizes = [128, 128], strides = [1, 1]} : vector<1280x128xf32> to vector<128x128xf32>
    %slice3A_146 = vector.extract_strided_slice %get3A_13 {offsets = [640, 0], sizes = [128, 128], strides = [1, 1]} : vector<1280x128xf32> to vector<128x128xf32>
    %concatenate3A_147 = tpu.concatenate %slice3A_144, %slice3A_145, %slice3A_146 in 1 : vector<128x128xf32>, vector<128x128xf32>, vector<128x128xf32> -> vector<128x384xf32>
    %get3A_148 = arith.constant 0 : index
    %get3A_149 = arith.constant 0 : index
    %get3A_150 = vector.load %arg10[%get3A_148, %get3A_149] : memref<64x384xf32, #tpu.memory_space<vmem>>, vector<64x384xf32>
    %dot_general3A_151 = arith.constant dense<0.000000e+00> : vector<64x384xf32>
    %dot_general3A_152 = tpu.matmul %convert_element_type3A_143, %concatenate3A_147, %dot_general3A_151 {dimension_numbers = #tpu.dot_dimension_numbers<[1], [0], [0], [1], [0, 0, 1, 1], [], []>, transpose_lhs_hint = false} : vector<64x128xf32>, vector<128x384xf32>, vector<64x384xf32> -> vector<64x384xf32>
    %add3A_153 = arith.addf %get3A_150, %dot_general3A_152 : vector<64x384xf32>
    %swap3A_154 = arith.constant 0 : index
    %swap3A_155 = arith.constant 0 : index
    %swap3A_156 = vector.load %arg10[%swap3A_154, %swap3A_155] : memref<64x384xf32, #tpu.memory_space<vmem>>, vector<64x384xf32>
    tpu.vector_store %arg10[%swap3A_154, %swap3A_155], %add3A_153 {strides = array<i32>} : memref<64x384xf32, #tpu.memory_space<vmem>>, vector<64x384xf32>,
    %get3A_157 = arith.constant 0 : index
    %get3A_158 = arith.constant 0 : index
    %get3A_159 = vector.load %arg11[%get3A_157, %get3A_158] : memref<64x128xf32, #tpu.memory_space<vmem>>, vector<64x128xf32>
    %add3A_160 = arith.addf %get3A_159, %convert_element_type3A_143 : vector<64x128xf32>
    %swap3A_161 = arith.constant 0 : index
    %swap3A_162 = arith.constant 0 : index
    %swap3A_163 = vector.load %arg11[%swap3A_161, %swap3A_162] : memref<64x128xf32, #tpu.memory_space<vmem>>, vector<64x128xf32>
    tpu.vector_store %arg11[%swap3A_161, %swap3A_162], %add3A_160 {strides = array<i32>} : memref<64x128xf32, #tpu.memory_space<vmem>>, vector<64x128xf32>,
    %slice3A_164 = vector.extract_strided_slice %get3A_4 {offsets = [6, 0, 0], sizes = [1, 1, 128], strides = [1, 1, 1]} : vector<10x1x128xi32> to vector<1x1x128xi32>
    %squeeze3A_165 = vector.shape_cast %slice3A_164 : vector<1x1x128xi32> to vector<1x128xi32>
    %eq3A_166 = vector.broadcast %squeeze3A_165 : vector<1x128xi32> to vector<64x128xi32>
    %eq3A_167 = arith.cmpi eq, %iota3A, %eq3A_166 : vector<64x128xi32>
    %convert_element_type3A_168 = arith.extui %eq3A_167 : vector<64x128xi1> to vector<64x128xi32>
    %convert_element_type3A_169 = arith.sitofp %convert_element_type3A_168 : vector<64x128xi32> to vector<64x128xf32>
    %slice3A_170 = vector.extract_strided_slice %get3A_7 {offsets = [768, 0], sizes = [128, 128], strides = [1, 1]} : vector<1280x128xf32> to vector<128x128xf32>
    %slice3A_171 = vector.extract_strided_slice %get3A_10 {offsets = [768, 0], sizes = [128, 128], strides = [1, 1]} : vector<1280x128xf32> to vector<128x128xf32>
    %slice3A_172 = vector.extract_strided_slice %get3A_13 {offsets = [768, 0], sizes = [128, 128], strides = [1, 1]} : vector<1280x128xf32> to vector<128x128xf32>
    %concatenate3A_173 = tpu.concatenate %slice3A_170, %slice3A_171, %slice3A_172 in 1 : vector<128x128xf32>, vector<128x128xf32>, vector<128x128xf32> -> vector<128x384xf32>
    %get3A_174 = arith.constant 0 : index
    %get3A_175 = arith.constant 0 : index
    %get3A_176 = vector.load %arg10[%get3A_174, %get3A_175] : memref<64x384xf32, #tpu.memory_space<vmem>>, vector<64x384xf32>
    %dot_general3A_177 = arith.constant dense<0.000000e+00> : vector<64x384xf32>
    %dot_general3A_178 = tpu.matmul %convert_element_type3A_169, %concatenate3A_173, %dot_general3A_177 {dimension_numbers = #tpu.dot_dimension_numbers<[1], [0], [0], [1], [0, 0, 1, 1], [], []>, transpose_lhs_hint = false} : vector<64x128xf32>, vector<128x384xf32>, vector<64x384xf32> -> vector<64x384xf32>
    %add3A_179 = arith.addf %get3A_176, %dot_general3A_178 : vector<64x384xf32>
    %swap3A_180 = arith.constant 0 : index
    %swap3A_181 = arith.constant 0 : index
    %swap3A_182 = vector.load %arg10[%swap3A_180, %swap3A_181] : memref<64x384xf32, #tpu.memory_space<vmem>>, vector<64x384xf32>
    tpu.vector_store %arg10[%swap3A_180, %swap3A_181], %add3A_179 {strides = array<i32>} : memref<64x384xf32, #tpu.memory_space<vmem>>, vector<64x384xf32>,
    %get3A_183 = arith.constant 0 : index
    %get3A_184 = arith.constant 0 : index
    %get3A_185 = vector.load %arg11[%get3A_183, %get3A_184] : memref<64x128xf32, #tpu.memory_space<vmem>>, vector<64x128xf32>
    %add3A_186 = arith.addf %get3A_185, %convert_element_type3A_169 : vector<64x128xf32>
    %swap3A_187 = arith.constant 0 : index
    %swap3A_188 = arith.constant 0 : index
    %swap3A_189 = vector.load %arg11[%swap3A_187, %swap3A_188] : memref<64x128xf32, #tpu.memory_space<vmem>>, vector<64x128xf32>
    tpu.vector_store %arg11[%swap3A_187, %swap3A_188], %add3A_186 {strides = array<i32>} : memref<64x128xf32, #tpu.memory_space<vmem>>, vector<64x128xf32>,
    %slice3A_190 = vector.extract_strided_slice %get3A_4 {offsets = [7, 0, 0], sizes = [1, 1, 128], strides = [1, 1, 1]} : vector<10x1x128xi32> to vector<1x1x128xi32>
    %squeeze3A_191 = vector.shape_cast %slice3A_190 : vector<1x1x128xi32> to vector<1x128xi32>
    %eq3A_192 = vector.broadcast %squeeze3A_191 : vector<1x128xi32> to vector<64x128xi32>
    %eq3A_193 = arith.cmpi eq, %iota3A, %eq3A_192 : vector<64x128xi32>
    %convert_element_type3A_194 = arith.extui %eq3A_193 : vector<64x128xi1> to vector<64x128xi32>
    %convert_element_type3A_195 = arith.sitofp %convert_element_type3A_194 : vector<64x128xi32> to vector<64x128xf32>
    %slice3A_196 = vector.extract_strided_slice %get3A_7 {offsets = [896, 0], sizes = [128, 128], strides = [1, 1]} : vector<1280x128xf32> to vector<128x128xf32>
    %slice3A_197 = vector.extract_strided_slice %get3A_10 {offsets = [896, 0], sizes = [128, 128], strides = [1, 1]} : vector<1280x128xf32> to vector<128x128xf32>
    %slice3A_198 = vector.extract_strided_slice %get3A_13 {offsets = [896, 0], sizes = [128, 128], strides = [1, 1]} : vector<1280x128xf32> to vector<128x128xf32>
    %concatenate3A_199 = tpu.concatenate %slice3A_196, %slice3A_197, %slice3A_198 in 1 : vector<128x128xf32>, vector<128x128xf32>, vector<128x128xf32> -> vector<128x384xf32>
    %get3A_200 = arith.constant 0 : index
    %get3A_201 = arith.constant 0 : index
    %get3A_202 = vector.load %arg10[%get3A_200, %get3A_201] : memref<64x384xf32, #tpu.memory_space<vmem>>, vector<64x384xf32>
    %dot_general3A_203 = arith.constant dense<0.000000e+00> : vector<64x384xf32>
    %dot_general3A_204 = tpu.matmul %convert_element_type3A_195, %concatenate3A_199, %dot_general3A_203 {dimension_numbers = #tpu.dot_dimension_numbers<[1], [0], [0], [1], [0, 0, 1, 1], [], []>, transpose_lhs_hint = false} : vector<64x128xf32>, vector<128x384xf32>, vector<64x384xf32> -> vector<64x384xf32>
    %add3A_205 = arith.addf %get3A_202, %dot_general3A_204 : vector<64x384xf32>
    %swap3A_206 = arith.constant 0 : index
    %swap3A_207 = arith.constant 0 : index
    %swap3A_208 = vector.load %arg10[%swap3A_206, %swap3A_207] : memref<64x384xf32, #tpu.memory_space<vmem>>, vector<64x384xf32>
    tpu.vector_store %arg10[%swap3A_206, %swap3A_207], %add3A_205 {strides = array<i32>} : memref<64x384xf32, #tpu.memory_space<vmem>>, vector<64x384xf32>,
    %get3A_209 = arith.constant 0 : index
    %get3A_210 = arith.constant 0 : index
    %get3A_211 = vector.load %arg11[%get3A_209, %get3A_210] : memref<64x128xf32, #tpu.memory_space<vmem>>, vector<64x128xf32>
    %add3A_212 = arith.addf %get3A_211, %convert_element_type3A_195 : vector<64x128xf32>
    %swap3A_213 = arith.constant 0 : index
    %swap3A_214 = arith.constant 0 : index
    %swap3A_215 = vector.load %arg11[%swap3A_213, %swap3A_214] : memref<64x128xf32, #tpu.memory_space<vmem>>, vector<64x128xf32>
    tpu.vector_store %arg11[%swap3A_213, %swap3A_214], %add3A_212 {strides = array<i32>} : memref<64x128xf32, #tpu.memory_space<vmem>>, vector<64x128xf32>,
    %slice3A_216 = vector.extract_strided_slice %get3A_4 {offsets = [8, 0, 0], sizes = [1, 1, 128], strides = [1, 1, 1]} : vector<10x1x128xi32> to vector<1x1x128xi32>
    %squeeze3A_217 = vector.shape_cast %slice3A_216 : vector<1x1x128xi32> to vector<1x128xi32>
    %eq3A_218 = vector.broadcast %squeeze3A_217 : vector<1x128xi32> to vector<64x128xi32>
    %eq3A_219 = arith.cmpi eq, %iota3A, %eq3A_218 : vector<64x128xi32>
    %convert_element_type3A_220 = arith.extui %eq3A_219 : vector<64x128xi1> to vector<64x128xi32>
    %convert_element_type3A_221 = arith.sitofp %convert_element_type3A_220 : vector<64x128xi32> to vector<64x128xf32>
    %slice3A_222 = vector.extract_strided_slice %get3A_7 {offsets = [1024, 0], sizes = [128, 128], strides = [1, 1]} : vector<1280x128xf32> to vector<128x128xf32>
    %slice3A_223 = vector.extract_strided_slice %get3A_10 {offsets = [1024, 0], sizes = [128, 128], strides = [1, 1]} : vector<1280x128xf32> to vector<128x128xf32>
    %slice3A_224 = vector.extract_strided_slice %get3A_13 {offsets = [1024, 0], sizes = [128, 128], strides = [1, 1]} : vector<1280x128xf32> to vector<128x128xf32>
    %concatenate3A_225 = tpu.concatenate %slice3A_222, %slice3A_223, %slice3A_224 in 1 : vector<128x128xf32>, vector<128x128xf32>, vector<128x128xf32> -> vector<128x384xf32>
    %get3A_226 = arith.constant 0 : index
    %get3A_227 = arith.constant 0 : index
    %get3A_228 = vector.load %arg10[%get3A_226, %get3A_227] : memref<64x384xf32, #tpu.memory_space<vmem>>, vector<64x384xf32>
    %dot_general3A_229 = arith.constant dense<0.000000e+00> : vector<64x384xf32>
    %dot_general3A_230 = tpu.matmul %convert_element_type3A_221, %concatenate3A_225, %dot_general3A_229 {dimension_numbers = #tpu.dot_dimension_numbers<[1], [0], [0], [1], [0, 0, 1, 1], [], []>, transpose_lhs_hint = false} : vector<64x128xf32>, vector<128x384xf32>, vector<64x384xf32> -> vector<64x384xf32>
    %add3A_231 = arith.addf %get3A_228, %dot_general3A_230 : vector<64x384xf32>
    %swap3A_232 = arith.constant 0 : index
    %swap3A_233 = arith.constant 0 : index
    %swap3A_234 = vector.load %arg10[%swap3A_232, %swap3A_233] : memref<64x384xf32, #tpu.memory_space<vmem>>, vector<64x384xf32>
    tpu.vector_store %arg10[%swap3A_232, %swap3A_233], %add3A_231 {strides = array<i32>} : memref<64x384xf32, #tpu.memory_space<vmem>>, vector<64x384xf32>,
    %get3A_235 = arith.constant 0 : index
    %get3A_236 = arith.constant 0 : index
    %get3A_237 = vector.load %arg11[%get3A_235, %get3A_236] : memref<64x128xf32, #tpu.memory_space<vmem>>, vector<64x128xf32>
    %add3A_238 = arith.addf %get3A_237, %convert_element_type3A_221 : vector<64x128xf32>
    %swap3A_239 = arith.constant 0 : index
    %swap3A_240 = arith.constant 0 : index
    %swap3A_241 = vector.load %arg11[%swap3A_239, %swap3A_240] : memref<64x128xf32, #tpu.memory_space<vmem>>, vector<64x128xf32>
    tpu.vector_store %arg11[%swap3A_239, %swap3A_240], %add3A_238 {strides = array<i32>} : memref<64x128xf32, #tpu.memory_space<vmem>>, vector<64x128xf32>,
    %slice3A_242 = vector.extract_strided_slice %get3A_4 {offsets = [9, 0, 0], sizes = [1, 1, 128], strides = [1, 1, 1]} : vector<10x1x128xi32> to vector<1x1x128xi32>
    %squeeze3A_243 = vector.shape_cast %slice3A_242 : vector<1x1x128xi32> to vector<1x128xi32>
    %eq3A_244 = vector.broadcast %squeeze3A_243 : vector<1x128xi32> to vector<64x128xi32>
    %eq3A_245 = arith.cmpi eq, %iota3A, %eq3A_244 : vector<64x128xi32>
    %convert_element_type3A_246 = arith.extui %eq3A_245 : vector<64x128xi1> to vector<64x128xi32>
    %convert_element_type3A_247 = arith.sitofp %convert_element_type3A_246 : vector<64x128xi32> to vector<64x128xf32>
    %slice3A_248 = vector.extract_strided_slice %get3A_7 {offsets = [1152, 0], sizes = [128, 128], strides = [1, 1]} : vector<1280x128xf32> to vector<128x128xf32>
    %slice3A_249 = vector.extract_strided_slice %get3A_10 {offsets = [1152, 0], sizes = [128, 128], strides = [1, 1]} : vector<1280x128xf32> to vector<128x128xf32>
    %slice3A_250 = vector.extract_strided_slice %get3A_13 {offsets = [1152, 0], sizes = [128, 128], strides = [1, 1]} : vector<1280x128xf32> to vector<128x128xf32>
    %concatenate3A_251 = tpu.concatenate %slice3A_248, %slice3A_249, %slice3A_250 in 1 : vector<128x128xf32>, vector<128x128xf32>, vector<128x128xf32> -> vector<128x384xf32>
    %get3A_252 = arith.constant 0 : index
    %get3A_253 = arith.constant 0 : index
    %get3A_254 = vector.load %arg10[%get3A_252, %get3A_253] : memref<64x384xf32, #tpu.memory_space<vmem>>, vector<64x384xf32>
    %dot_general3A_255 = arith.constant dense<0.000000e+00> : vector<64x384xf32>
    %dot_general3A_256 = tpu.matmul %convert_element_type3A_247, %concatenate3A_251, %dot_general3A_255 {dimension_numbers = #tpu.dot_dimension_numbers<[1], [0], [0], [1], [0, 0, 1, 1], [], []>, transpose_lhs_hint = false} : vector<64x128xf32>, vector<128x384xf32>, vector<64x384xf32> -> vector<64x384xf32>
    %add3A_257 = arith.addf %get3A_254, %dot_general3A_256 : vector<64x384xf32>
    %swap3A_258 = arith.constant 0 : index
    %swap3A_259 = arith.constant 0 : index
    %swap3A_260 = vector.load %arg10[%swap3A_258, %swap3A_259] : memref<64x384xf32, #tpu.memory_space<vmem>>, vector<64x384xf32>
    tpu.vector_store %arg10[%swap3A_258, %swap3A_259], %add3A_257 {strides = array<i32>} : memref<64x384xf32, #tpu.memory_space<vmem>>, vector<64x384xf32>,
    %get3A_261 = arith.constant 0 : index
    %get3A_262 = arith.constant 0 : index
    %get3A_263 = vector.load %arg11[%get3A_261, %get3A_262] : memref<64x128xf32, #tpu.memory_space<vmem>>, vector<64x128xf32>
    %add3A_264 = arith.addf %get3A_263, %convert_element_type3A_247 : vector<64x128xf32>
    %swap3A_265 = arith.constant 0 : index
    %swap3A_266 = arith.constant 0 : index
    %swap3A_267 = vector.load %arg11[%swap3A_265, %swap3A_266] : memref<64x128xf32, #tpu.memory_space<vmem>>, vector<64x128xf32>
    tpu.vector_store %arg11[%swap3A_265, %swap3A_266], %add3A_264 {strides = array<i32>} : memref<64x128xf32, #tpu.memory_space<vmem>>, vector<64x128xf32>,
    %eq3A_268 = arith.constant 7 : i32
    %eq3A_269 = arith.cmpi eq, %arg0, %eq3A_268 : i32
    %convert_element_type3A_270 = arith.extui %eq3A_269 : i1 to i32
    %cond3A_271 = arith.constant 0 : i32
    %cond3A_272 = arith.cmpi ne, %convert_element_type3A_270, %cond3A_271 : i32
    scf.if %cond3A_272 {
      %get3A_273 = arith.constant 0 : index
      %get3A_274 = arith.constant 0 : index
      %get3A_275 = vector.load %arg11[%get3A_273, %get3A_274] : memref<64x128xf32, #tpu.memory_space<vmem>>, vector<64x128xf32>
      %reduce_sum3A = arith.constant dense<0.000000e+00> : vector<64xf32>
      %reduce_sum3A_276 = vector.multi_reduction <add>, %get3A_275, %reduce_sum3A [1] : vector<64x128xf32> to vector<64xf32>
      %broadcast_in_dim3A = vector.shape_cast %reduce_sum3A_276 : vector<64xf32> to vector<64x1xf32>
      %get3A_277 = arith.constant 0 : index
      %get3A_278 = arith.constant 0 : index
      %get3A_279 = vector.load %arg10[%get3A_277, %get3A_278] : memref<64x384xf32, #tpu.memory_space<vmem>>, vector<64x384xf32>
      %max3A = arith.constant 1.000000e+00 : f32
      %max3A_280 = vector.broadcast %max3A : f32 to vector<64x1xf32>
      %max3A_281 = arith.maximumf %broadcast_in_dim3A, %max3A_280 : vector<64x1xf32>
      %div3A = vector.broadcast %max3A_281 : vector<64x1xf32> to vector<64x384xf32>
      %div3A_282 = arith.divf %get3A_279, %div3A : vector<64x384xf32>
      %get3A_283 = arith.constant 0 : index
      %get3A_284 = arith.constant 0 : index
      %get3A_285 = vector.load %arg5[%get3A_283, %get3A_284] : memref<384x128xf32, #tpu.memory_space<vmem>>, vector<384x128xf32>
      %dot_general3A_286 = arith.constant dense<0.000000e+00> : vector<64x128xf32>
      %dot_general3A_287 = tpu.matmul %div3A_282, %get3A_285, %dot_general3A_286 {dimension_numbers = #tpu.dot_dimension_numbers<[1], [0], [0], [1], [0, 0, 1, 1], [], []>, transpose_lhs_hint = false} : vector<64x384xf32>, vector<384x128xf32>, vector<64x128xf32> -> vector<64x128xf32>
      %get3A_288 = arith.constant 0 : index
      %get3A_289 = arith.constant 0 : index
      %get3A_290 = vector.load %arg6[%get3A_288, %get3A_289] : memref<1x128xf32, #tpu.memory_space<vmem>>, vector<1x128xf32>
      %add3A_291 = vector.broadcast %get3A_290 : vector<1x128xf32> to vector<64x128xf32>
      %add3A_292 = arith.addf %dot_general3A_287, %add3A_291 : vector<64x128xf32>
      %max3A_293 = arith.constant 0.000000e+00 : f32
      %max3A_294 = vector.broadcast %max3A_293 : f32 to vector<64x128xf32>
      %max3A_295 = arith.maximumf %add3A_292, %max3A_294 : vector<64x128xf32>
      %get3A_296 = arith.constant 0 : index
      %get3A_297 = arith.constant 0 : index
      %get3A_298 = vector.load %arg7[%get3A_296, %get3A_297] : memref<128x32xf32, #tpu.memory_space<vmem>>, vector<128x32xf32>
      %dot_general3A_299 = arith.constant dense<0.000000e+00> : vector<64x32xf32>
      %dot_general3A_300 = tpu.matmul %max3A_295, %get3A_298, %dot_general3A_299 {dimension_numbers = #tpu.dot_dimension_numbers<[1], [0], [0], [1], [0, 0, 1, 1], [], []>, transpose_lhs_hint = false} : vector<64x128xf32>, vector<128x32xf32>, vector<64x32xf32> -> vector<64x32xf32>
      %get3A_301 = arith.constant 0 : index
      %get3A_302 = arith.constant 0 : index
      %get3A_303 = vector.load %arg8[%get3A_301, %get3A_302] : memref<1x32xf32, #tpu.memory_space<vmem>>, vector<1x32xf32>
      %add3A_304 = vector.broadcast %get3A_303 : vector<1x32xf32> to vector<64x32xf32>
      %add3A_305 = arith.addf %dot_general3A_300, %add3A_304 : vector<64x32xf32>
      %reduce_max3A = arith.constant dense<0xFF800000> : vector<64xf32>
      %reduce_max3A_306 = vector.multi_reduction <maximumf>, %add3A_305, %reduce_max3A [1] : vector<64x32xf32> to vector<64xf32>
      %broadcast_in_dim3A_307 = vector.shape_cast %reduce_max3A_306 : vector<64xf32> to vector<64x1xf32>
      %sub3A = vector.broadcast %broadcast_in_dim3A_307 : vector<64x1xf32> to vector<64x32xf32>
      %sub3A_308 = arith.subf %add3A_305, %sub3A : vector<64x32xf32>
      %exp3A = math.exp %sub3A_308 : vector<64x32xf32>
      %reduce_sum3A_309 = arith.constant dense<0.000000e+00> : vector<64xf32>
      %reduce_sum3A_310 = vector.multi_reduction <add>, %exp3A, %reduce_sum3A_309 [1] : vector<64x32xf32> to vector<64xf32>
      %broadcast_in_dim3A_311 = vector.shape_cast %reduce_sum3A_310 : vector<64xf32> to vector<64x1xf32>
      %log3A = math.log %broadcast_in_dim3A_311 : vector<64x1xf32>
      %add3A_312 = arith.addf %broadcast_in_dim3A_307, %log3A : vector<64x1xf32>
      %sub3A_313 = vector.broadcast %add3A_312 : vector<64x1xf32> to vector<64x32xf32>
      %sub3A_314 = arith.subf %add3A_305, %sub3A_313 : vector<64x32xf32>
      %swap3A_315 = arith.constant 0 : index
      %swap3A_316 = arith.constant 0 : index
      %swap3A_317 = vector.load %arg9[%swap3A_315, %swap3A_316] : memref<64x32xf32, #tpu.memory_space<vmem>>, vector<64x32xf32>
      tpu.vector_store %arg9[%swap3A_315, %swap3A_316], %sub3A_314 {strides = array<i32>} : memref<64x32xf32, #tpu.memory_space<vmem>>, vector<64x32xf32>,
    } else {
    }
    return
  }
  func.func @transform_0(%arg0: i32) -> (i32, i32, i32) {
    %c0_i32 = arith.constant 0 : i32
    %c0_i32_0 = arith.constant 0 : i32
    %c0_i32_1 = arith.constant 0 : i32
    return %arg0, %c0_i32, %c0_i32_0 : i32, i32, i32
  }
  func.func @transform_1(%arg0: i32) -> (i32, i32) {
    %c0_i32 = arith.constant 0 : i32
    %c0_i32_0 = arith.constant 0 : i32
    return %arg0, %c0_i32 : i32, i32
  }
  func.func @transform_2(%arg0: i32) -> (i32, i32) {
    %c0_i32 = arith.constant 0 : i32
    %c0_i32_0 = arith.constant 0 : i32
    return %arg0, %c0_i32 : i32, i32
  }
  func.func @transform_3(%arg0: i32) -> (i32, i32) {
    %c0_i32 = arith.constant 0 : i32
    %c0_i32_0 = arith.constant 0 : i32
    return %arg0, %c0_i32 : i32, i32
  }
  func.func @transform_4(%arg0: i32) -> (i32, i32) {
    %c0_i32 = arith.constant 0 : i32
    %c0_i32_0 = arith.constant 0 : i32
    %c0_i32_1 = arith.constant 0 : i32
    return %c0_i32, %c0_i32_0 : i32, i32
  }
  func.func @transform_5(%arg0: i32) -> (i32, i32) {
    %c0_i32 = arith.constant 0 : i32
    %c0_i32_0 = arith.constant 0 : i32
    %c0_i32_1 = arith.constant 0 : i32
    return %c0_i32, %c0_i32_0 : i32, i32
  }
  func.func @transform_6(%arg0: i32) -> (i32, i32) {
    %c0_i32 = arith.constant 0 : i32
    %c0_i32_0 = arith.constant 0 : i32
    %c0_i32_1 = arith.constant 0 : i32
    return %c0_i32, %c0_i32_0 : i32, i32
  }
  func.func @transform_7(%arg0: i32) -> (i32, i32) {
    %c0_i32 = arith.constant 0 : i32
    %c0_i32_0 = arith.constant 0 : i32
    %c0_i32_1 = arith.constant 0 : i32
    return %c0_i32, %c0_i32_0 : i32, i32
  }
  func.func @transform_8(%arg0: i32) -> (i32, i32) {
    %c0_i32 = arith.constant 0 : i32
    %c0_i32_0 = arith.constant 0 : i32
    %c0_i32_1 = arith.constant 0 : i32
    return %c0_i32, %c0_i32_0 : i32, i32
  }
}

</mosaic_0001>

<sc_bundles>
// kernel: kernel.11.cloned.1.call-start
scs
__scs_entry_jumppad:
0x0: {  	(pc) =	sbr.rel $0x88, $3  }
0x1: {  	(tag) =	ssettag $0x0;
	lr =	simm.s32 $0x1  }
0x2: {  	[smem:$0x3F94] =	sst lr;
	_ =	strace $0xD0000000  }
0x3: {  	_ = 	snop  }
0x4: {  	_ = 	snop  }
0x5: {  	_ = 	snop  }
0x6: {  	_ = 	snop  }
0x7: {  	_ = 	snop  }
__scs_overlays_trampoline_lowered:
0x8: {  	[smem:$0x3FA3] =	sst s0  }
0x9: {  	[smem:$0x3FA4] =	sst s1  }
0xa: {  	[smem:$0x3FA5] =	sst s2  }
0xb: {  	[smem:$0x3FA6] =	sst s3  }
0xc: {  	[smem:$0x3FA7] =	sst s4  }
0xd: {  	[smem:$0x3FA8] =	sst s5  }
0xe: {  	[smem:$0x3FA9] =	sst s6  }
0xf: {  	[smem:$0x3FAA] =	sst s7  }
0x10: {  	[smem:$0x3FAB] =	sst s8  }
0x11: {  	[smem:$0x3FAC] =	sst s9;
	s0 =	simm.s32 @!p0 $0x0  }
0x12: {  	s1 =	sld [smem:$0x3F92];
	s0 =	simm.s32 @p0 $0x1  }
0x13: {  	[smem:$0x3FAD] =	sst s0;
	s0 =	simm.s32 @!p1 $0x0  }
0x14: {  	s2 =	sld [smem:$0x3F91];
	s0 =	simm.s32 @p1 $0x1  }
0x15: {  	[smem:$0x3FAE] =	sst s0;
	s0 =	simm.s32 @!p2 $0x0  }
0x16: {  	s3 =	sld [smem:$0x3FDB];
	s0 =	simm.s32 @p2 $0x1  }
0x17: {  	s4 =	simm.s32 $0x1BF5;
	[smem:$0x3FB0] =	sst s0  }
0x18: {  	s0 =	sld [smem:$0x3F93];
	_ =	swait.ge [sflag:s4], $0x0  }
0x19: {  	s7 =	sld [smem:$0x3F94]  }
0x1a: {  	s8 =	sadd.s32 $0xFFFFE003, lr  }
0x1b: {  	s9 =	sadd.s32 $0xFFFFFEF7, lr;
	s5 =	simm.s32 $0xFFFFFFFF;
	p2 =	slt.u32 s8, $0xFFFFF086  }
0x1c: {  	p1 =	slt.u32 s9, $0xF7A;
	s5 =	simm.s32 @!p2 $0x0  }
0x1d: {  	s5 =	simm.s32 @p1 $0x1;
	p0 =	seq.s32 s7, s2  }
0x1e: {  	s7 =	smul.u32 @!p0 $0xF7A, s2;
	p2 =	seq.s32 @!p0 s5, $0x0  }
0x1f: {  	s9 =	smul.u32 $0xF7A, s1;
	s8 =	simm.s32 @!p0 $0x1BF5;
	p2 =	por !p2, p0  }
0x20: {  	[sflag:s8] =	ssyncset.s32 @!p0 $0xFFFFF086;
	s6 =	sadd.s32 @!p0 s3, s7;
	s7 =	simm.s32 @!p0 $0x108  }
0x21: {  	s3 =	sadd.s32 s3, s9;
	s6 =	sadd.s32 @!p0 $0x88, s6;
	s7 =	simm.s32 @p2 $0x1082  }
0x22: {  	[simem:s7], [sflag:s8] =	dma.local @!p0 [hbm:s6], $0xF7A  }
0x23: {  	s9 =	sor.u32 $0xD0000000, s2;
	s6 =	simm.s32 $0x108;
	_ =	swait.ge @!p0 [sflag:s8], $0x0  }
0x24: {  	s3 =	sadd.s32 $0x88, s3;
	s6 =	simm.s32 @!p1 $0x1082;
	[sflag:s4] =	ssyncset.s32 $0xFFFFF086  }
0x25: {  	[simem:s6], [sflag:s4] =	dma.local [hbm:s3], $0xF7A  }
0x26: {  	[smem:$0x3F94] =	sst s1;
	(tag) =	ssettag s2;
	_ =	strace s9  }
0x27: {  	s1 =	sld [smem:$0x3FA4]  }
0x28: {  	s2 =	sld [smem:$0x3FA5]  }
0x29: {  	s4 =	sld [smem:$0x3FA7]  }
0x2a: {  	p0 =	seq.s32 s5, $0x0;
	s5 =	sld [smem:$0x3FA8]  }
0x2b: {  	s6 =	sld [smem:$0x3FA9]  }
0x2c: {  	s7 =	sld [smem:$0x3FAA]  }
0x2d: {  	s3 =	simm.s32 $0x108;
	s8 =	sld [smem:$0x3FAB]  }
0x2e: {  	s3 =	simm.s32 @!p0 $0x1082;
	s9 =	sld [smem:$0x3FAC]  }
0x2f: {  	lr =	sadd.s32 s0, s3;
	s0 =	sld [smem:$0x3FA3]  }
0x30: {  	s3 =	sld [smem:$0x3FA6]  }
0x31: {  	[smem:$0x3FAF] =	sst s10  }
0x32: {  	s10 =	sld [smem:$0x3FAD];
	_ =	sdelay $0x3  }
0x33: {  	p0 =	seq.s32 s10, $0x1;
	s10 =	sld [smem:$0x3FAF];
	_ =	sdelay $0x3  }
0x34: {  	[smem:$0x3FAF] =	sst s10  }
0x35: {  	s10 =	sld [smem:$0x3FAE];
	_ =	sdelay $0x3  }
0x36: {  	p1 =	seq.s32 s10, $0x1;
	s10 =	sld [smem:$0x3FAF];
	_ =	sdelay $0x3  }
0x37: {  	[smem:$0x3FAF] =	sst s10  }
0x38: {  	s10 =	sld [smem:$0x3FB0]  }
0x39: {  	_ = 	snop;
	(pc) =	sbr.ind lr, $3  }
0x3a: {  	_ = 	snop  }
0x3b: {  	_ = 	snop  }
0x3c: {  	p2 =	seq.s32 s10, $0x1;
	s10 =	sld [smem:$0x3FAF]  }
0x3d: {  	_ =	shalt  }
0x3e: {  	_ =	shalt  }
0x3f: {  	_ =	shalt  }
0x40: {  	_ =	shalt  }
0x41: {  	_ =	shalt  }
0x42: {  	_ =	shalt  }
0x43: {  	_ =	shalt  }
0x44: {  	_ =	shalt  }
0x45: {  	_ =	shalt  }
0x46: {  	_ =	shalt  }
0x47: {  	_ =	shalt  }
0x48: {  	_ =	shalt  }
0x49: {  	_ =	shalt  }
0x4a: {  	_ =	shalt  }
0x4b: {  	_ =	shalt  }
0x4c: {  	_ =	shalt  }
0x4d: {  	_ =	shalt  }
0x4e: {  	_ =	shalt  }
0x4f: {  	_ =	shalt  }
0x50: {  	_ =	shalt  }
0x51: {  	_ =	shalt  }
0x52: {  	_ =	shalt  }
0x53: {  	_ =	shalt  }
0x54: {  	_ =	shalt  }
0x55: {  	_ =	shalt  }
0x56: {  	_ =	shalt  }
0x57: {  	_ =	shalt  }
0x58: {  	_ =	shalt  }
0x59: {  	_ =	shalt  }
0x5a: {  	_ =	shalt  }
0x5b: {  	_ =	shalt  }
0x5c: {  	_ =	shalt  }
0x5d: {  	_ =	shalt  }
0x5e: {  	_ =	shalt  }
0x5f: {  	_ =	shalt  }
0x60: {  	_ =	shalt  }
0x61: {  	_ =	shalt  }
0x62: {  	_ =	shalt  }
0x63: {  	_ =	shalt  }
0x64: {  	_ =	shalt  }
0x65: {  	_ =	shalt  }
0x66: {  	_ =	shalt  }
0x67: {  	_ =	shalt  }
0x68: {  	_ =	shalt  }
0x69: {  	_ =	shalt  }
0x6a: {  	_ =	shalt  }
0x6b: {  	_ =	shalt  }
0x6c: {  	_ =	shalt  }
0x6d: {  	_ =	shalt  }
0x6e: {  	_ =	shalt  }
0x6f: {  	_ =	shalt  }
0x70: {  	_ =	shalt  }
0x71: {  	_ =	shalt  }
0x72: {  	_ =	shalt  }
0x73: {  	_ =	shalt  }
0x74: {  	_ =	shalt  }
0x75: {  	_ =	shalt  }
0x76: {  	_ =	shalt  }
0x77: {  	_ =	shalt  }
0x78: {  	_ =	shalt  }
0x79: {  	_ =	shalt  }
0x7a: {  	_ =	shalt  }
0x7b: {  	_ =	shalt  }
0x7c: {  	_ =	shalt  }
0x7d: {  	_ =	shalt  }
0x7e: {  	_ =	shalt  }
0x7f: {  	_ =	shalt  }
0x80: {  	_ =	shalt  }
0x81: {  	_ =	shalt  }
0x82: {  	_ =	shalt  }
0x83: {  	_ =	shalt  }
0x84: {  	_ =	shalt  }
0x85: {  	_ =	shalt  }
0x86: {  	_ =	shalt  }
0x87: {  	_ =	shalt  }
.Lfunc_end0:
.L_simem_size_0:
called_computation_lowered:
.L_overlay_start_0:
0x88: {  	s2 =	sld [smem:$0x3FD9]  }
0x89: {  	s3 =	sld [smem:$0x3FFE];
	_ =	sdelay $0x1  }
0x8a: {  	s1 =	srdreg.scid  }
0x8b: {  	s0 =	sand.u32 $0x1, s1  }
0x8c: {  	s16 =	sshll.u32 s0, $0xA;
	s2 =	sadd.s32 s3, s2  }
0x8d: {  	s2 =	sadd.s32 s2, s16  }
0x8e: {  	[smem:$0x3FBB] =	sst s2  }
0x8f: {  	_ = 	snop  }
0x90: {  	(tm) =	ssettm $0x1  }
0x91: {  	s17 =	sld [smem:$0x3FFB];
	_ =	sdelay $0x3  }
0x92: {  	_ =	strace s17  }
0x93: {  	s2 =	sld [smem:$0x3FFC];
	_ =	sdelay $0x3  }
0x94: {  	_ =	strace s2  }
0x95: {  	s2 =	sld [smem:$0x3FFD];
	_ =	sdelay $0x3  }
0x96: {  	_ =	strace s2  }
0x97: {  	_ =	strace $0x8FFFFFFF  }
0x98: {  	s18 =	sld [smem:$0x3FDB];
	_ =	sdelay $0x1  }
0x99: {  	s19 =	simm.s32 $_scs_section_size  }
0x9a: {  	s4 =	simm.s32 $_size__tile_overlayer_lowered;
	s5 =	simm.s32 $_tile_overlayer_lowered  }
0x9b: {  	s22 =	simm.s32 $0x1BFF;
	s21 =	sshll.u32 s5, $0x1;
	s2 =	sadd.s32 s19, s18  }
0x9c: {  	s6 =	simm.s32 $0x0;
	s20 =	sshll.u32 s4, $0x1;
	s4 =	sadd.s32 s21, s2  }
0x9d: {  	[timem:s6], [sflag:s22] =	dma.local [hbm:s4], s20  }
0x9e: {  	_ =	swait.ge [sflag:s22], s20  }
0x9f: {  	s3 =	ssub.s32 $0x0, s20;
	[sflag:s22] =	ssyncset.done $0x0  }
0xa0: {  	[sflag:s22] =	ssyncadd.s32 s3;
	_ =	sdelay $0x1  }
0xa1: {  	s23 =	simm.s32 $0x1B8B  }
0xa2: {  	_ =	swait.ge [sflag:s23], $0x1  }
0xa3: {  	[sflag:s23] =	ssyncset.done $0x0  }
0xa4: {  	s25 =	simm.s32 $0x1B8E;
	s24 =	sld [smem:$0x3FFE];
	[sflag:s23] =	ssyncadd.s32 $0xFFFFFFFF  }
0xa5: {  	s26 =	simm.s32 $execute0_lowered;
	[smem:$0x3FD2] =	sst s25  }
0xa6: {  	s4 =	sshll.u32 s26, $0x1;
	_ =	strace $0x80000046;
	[dreg:$0x1] =	wrdreg $0xFFFFFFFF  }
0xa7: {  	s28 =	simm.s32 $_size_execute0_lowered;
	s2 =	sadd.s32 s2, s4;
	[dreg:$0x0] =	wrdreg $0x0  }
0xa8: {  	s4 =	sshll.u32 s28, $0x1;
	[dreg:$0x2] =	wrdreg s2  }
0xa9: {  	[dreg:$0x3] =	wrdreg s4  }
0xaa: {  	[dreg:$0x4] =	wrdreg $0xC0  }
0xab: {  	_ =	task [dreg:s6], $0x5FFFF  }
0xac: {  	[dreg:$0x1] =	wrdreg $0xFFFFFFFF  }
0xad: {  	[dreg:$0x0] =	wrdreg $0x60  }
0xae: {  	[dreg:$0x2] =	wrdreg s24  }
0xaf: {  	[dreg:$0x3] =	wrdreg $0x6C000  }
0xb0: {  	[dreg:$0x4] =	wrdreg $0x9  }
0xb1: {  	_ =	task.clear_ibuf [dreg:s6], $0x5FFFF;
	_ =	strace $0x90000046  }
0xb2: {  	s29 =	simm.s32 $0x9;
	_ =	strace $0x80000048  }
0xb3: {  	_ =	swait.ge [sflag:s29], $0x1  }
0xb4: {  	[sflag:s29] =	ssyncadd.s32 $0xFFFFFFFF  }
0xb5: {  	_ =	strace $0x90000048  }
0xb6: {  	_ =	sfence  }
0xb7: {  	s30 =	sld [smem:$0x0];
	_ =	sdelay $0x2  }
0xb8: {  	s31 =	sshll.u32 s1, $0xD;
	s1 =	sshrl.u32 s1, $0x2  }
0xb9: {  	s3 =	sand.u32 $0x4000, s31;
	s1 =	sadd.s32 s1, s30  }
0xba: {  	s0 =	sor.u32 s3, s0;
	s1 =	sshll.u32 s1, $0x11  }
0xbb: {  	s0 =	sor.u32 s1, s0  }
0xbc: {  	s0 =	sadd.s32 $0x8F2B, s0  }
0xbd: {  	[sflag:s0] =	ssyncadd.remote.s32 $0x1  }
0xbe: {  	_ =	sfence.sel $0xFFFF  }
0xbf: {  	[dreg:$0x0] =	wrdreg $0xFFFFFFFF;
	(pc) =	sbr.abs _section_cstart, $3  }
0xc0: {  	[dreg:$0x1] =	wrdreg $0xFFFFFFFF  }
0xc1: {  	_ =	task.clear_ibuf [dreg:s6], $0x2FFFF;
	_ =	strace $0x9FFFFFFF  }
0xc2: {  	(tm) =	ssettm $0x7FFFFFFF  }
0xc3: {  	_ =	shalt  }
tec
execute0_lowered:
.L_overlay_start_1:
0x0: {  	(tag) =	ssettag $0x1  }
0x1: {  	s0 =	srdreg.scid;
	s5 =	rddreg [dreg:$0x0]  }
0x2: {  	s2 =	rddreg [dreg:$0x1];
	s6 =	sand.u32 $0x1, s0  }
0x3: {  	s0 =	stileid.u32;
	s4 =	smul.u32 $0x2C000, s6  }
0x4: {  	s1 =	rddreg [dreg:$0x2];
	s3 =	simm.s32 $0x0;
	s7 =	smul.u32 $0x2C00, s0  }
0x5: {  	s15 =	simm.s32 $0x0;
	[smem:$0x7FF] =	sst s3;
	s28 =	smul.u32 $0x14000, s0  }
0x6: {  	_ =	strace $0x80000047;
	s8 =	smul.u32 $0x140000, s6;
	s29 =	ssub.s32 $0x2, s6  }
0x7: {  	s12 =	smul.u32 $0x50000, s0;
	p0 =	seq.s32 s6, $0x0;
	s6 =	simm.s32 $0x54  }
0x8: {  	s31 =	sshll.u32 s0, $0x6;
	s11 =	sshrl.u32 s29, $0x1;
	s6 =	simm.s32 @!p0 $0x49  }
0x9: {  	s4 =	sadd.s32 s7, s4;
	s10 =	sshrl.u32 s28, $0x3;
	s7 =	sadd.s32 s28, s8  }
0xa: {  	s11 =	ssub.s32 s29, s11;
	s30 =	sshrl.u32 s12, $0x2;
	s12 =	sor.u32 $0x1C01, s31  }
0xb: {  	s4 =	sshrl.u32 s4, $0x3;
	s10 =	sadd.s32 s10, s5;
	s7 =	sshrl.u32 s7, $0x3  }
0xc: {  	s14 =	sadd.s32 s30, s2;
	s9 =	sadd.s32 s4, s5;
	s4 =	sadd.s32 $0x36A00, s5  }
0xd: {  	s13 =	sadd.s32 s7, s5;
	s7 =	sadd.s32 $0xEA00, s10;
	s10 =	simm.s32 $0x1  }
0xe: {  	s5 =	sadd.s32 $0x3A00, s9;
	s8 =	sadd.s32 $0x37200, s13;
	s9 =	smax.u32 s11, $0x1  }
0xf: {  	s11 =	simm.s32 $0x2C00;
	s13 =	sshrl.u32 s14, $0x3;
	s14 =	simm.s32 $0x80  }
.LBB2_1:
0x10: {  	[tilespmem:s3], [sflag:$0x1] =	stream.linear.gather [hbm4b:s5+s3], $0x2A00, $0x38;
	[tilespmem:$0x1AC00] =	vst v63  }
0x11: {  	_ =	swait.ge [sflag:s10], $0x2A00  }
0x12: {  	[sflag:s10] =	ssyncset.done $0x0  }
0x13: {  	[sflag:s10] =	ssyncadd.s32 $0xFFFFD600  }
0x14: {  	[tilespmem:s11], [sflag:$0x1] =	stream.linear.gather [hbm4b:s4+s3], $0x4000, $0x38;
	[tilespmem:$0x1AC00] =	vst v63  }
0x15: {  	_ =	swait.ge [sflag:s10], $0x4000  }
0x16: {  	[sflag:s10] =	ssyncset.done $0x0  }
0x17: {  	[sflag:s10] =	ssyncadd.s32 $0xFFFFC000  }
0x18: {  	[spmem:s13], [sflag:s12] =	dma.local [hbm:s7], $0x2800  }
0x19: {  	_ =	swait.ge [sflag:s10], $0x2800  }
0x1a: {  	p0 =	sne.s32 s6, $0x1;
	[sflag:s10] =	ssyncset.done $0x0  }
.Ltmp0:
0x1b: {  	[sflag:s10] =	ssyncadd.s32 $0xFFFFD800;
	(pc) =	sbr.rel @!p0 .LBB2_3-.Ltmp0, $4  }
0x1c: {  	[bflag:$0x0] =	sbarrier.arrive $0xFFFF  }
0x1d: {  	[spmem:s2] =	stream.indirect.scatter.add.f32 [tilespmem:s11], [sflag:$0x1], $0x80, s3, s14, $0xb8;
	[tilespmem:$0x1AC00] =	vst v63  }
0x1e: {  	_ =	swait.ge [sflag:s10], $0x4000  }
0x1f: {  	s16 =	sadd.s32 $0xFFFFFFFF, s6;
	s17 =	simm.s32 $0x0;
	[sflag:s10] =	ssyncset.done $0x0  }
.LBB2_2:
0x20: {  	p0 =	sne.s32 s16, $0x1;
	[sflag:s10] =	ssyncadd.s32 $0xFFFFC000;
	s17 =	sadd.s32 $0x80, s17  }
.Ltmp1:
0x21: {  	s16 =	sadd.s32 $0xFFFFFFFF, s16;
	(pc) =	sbr.rel @p0 .LBB2_2-.Ltmp1, $4  }
0x22: {  	_ = 	snop  }
0x23: {  	[spmem:s2] =	stream.indirect.scatter.add.f32 [tilespmem:s11], [sflag:$0x1], $0x80, s17, s14, $0xb8;
	[tilespmem:$0x1AC00] =	vst v63  }
0x24: {  	_ =	swait.ge [sflag:s10], $0x4000  }
0x25: {  	[sflag:s10] =	ssyncset.done $0x0  }
.LBB2_3:
0x26: {  	s15 =	sadd.s32 $0x1, s15  }
0x27: {  	[sflag:s10] =	ssyncadd.s32 $0xFFFFC000;
	p0 =	sne.s32 s15, s9  }
.Ltmp2:
0x28: {  	[bflag:$0x0] =	sbarrier.arrive $0xFFFF;
	(pc) =	sbr.rel @p0 .LBB2_1-.Ltmp2, $4  }
0x29: {  	[hbm:s8], [sflag:s12] =	dma.local [spmem:s13], $0x2800  }
0x2a: {  	_ =	swait.ge [sflag:s10], $0x2800  }
0x2b: {  	[sflag:s10] =	ssyncset.done $0x0  }
0x2c: {  	[sflag:s10] =	ssyncadd.s32 $0xFFFFD800  }
0x2d: {  	_ =	sfence.sel $0x180000  }
0x2e: {  	[bflag:$0x0] =	sbarrier.arrive $0xFFFF  }
0x2f: {  	p0 =	sne.s32 s0, $0x0;
	_ =	strace $0x90000047  }
0x30: {  	s0 =	sadd.s32 @!p0 $0x100000, s1;
	[bflag:$0x2] =	sbarrier.arrive $0xFFFF  }
0x31: {  	[sflag:s0] =	ssyncadd.tile.s32 @!p0 $0x1;
	_ =	shalt  }
.Lfunc_end2:
_tile_overlayer_lowered:
.L_overlay_start_2:
0x32: {  	(tag) =	ssettag $0x2  }
0x33: {  	s0 =	rddreg [dreg:$0x0];
	s2 =	stileid.u32  }
0x34: {  	s1 =	rddreg [dreg:$0x1];
	p0 =	sne.s32 s2, $0x0  }
0x35: {  	s3 =	rddreg [dreg:$0x2];
	[bflag:$0x3] =	sbarrier.arrive $0xFFFF;
	s2 =	simm.s32 @!p0 $0x1C01  }
0x36: {  	[timem:s3], [sflag:s2] =	dma.local @!p0 [hbm:s0], s1  }
0x37: {  	s0 =	simm.s32 @!p0 $0x1  }
0x38: {  	_ =	swait.ge @!p0 [sflag:s0], s1  }
0x39: {  	s1 =	ssub.s32 @!p0 $0x0, s1;
	[sflag:s0] =	ssyncset.done @!p0 $0x0  }
0x3a: {  	[sflag:s0] =	ssyncadd.s32 @!p0 s1  }
0x3b: {  	[bflag:$0x3] =	sbarrier.arrive $0xFFFF  }
0x3c: {  	_ =	shalt  }

// kernel: kernel.14.cloned.1.call-start
scs
__scs_entry_jumppad:
0x0: {  	(pc) =	sbr.rel $0x88, $3  }
0x1: {  	(tag) =	ssettag $0x0;
	lr =	simm.s32 $0x1  }
0x2: {  	[smem:$0x3F94] =	sst lr;
	_ =	strace $0xD0000000  }
0x3: {  	_ = 	snop  }
0x4: {  	_ = 	snop  }
0x5: {  	_ = 	snop  }
0x6: {  	_ = 	snop  }
0x7: {  	_ = 	snop  }
__scs_overlays_trampoline_lowered:
0x8: {  	[smem:$0x3FA3] =	sst s0  }
0x9: {  	[smem:$0x3FA4] =	sst s1  }
0xa: {  	[smem:$0x3FA5] =	sst s2  }
0xb: {  	[smem:$0x3FA6] =	sst s3  }
0xc: {  	[smem:$0x3FA7] =	sst s4  }
0xd: {  	[smem:$0x3FA8] =	sst s5  }
0xe: {  	[smem:$0x3FA9] =	sst s6  }
0xf: {  	[smem:$0x3FAA] =	sst s7  }
0x10: {  	[smem:$0x3FAB] =	sst s8  }
0x11: {  	[smem:$0x3FAC] =	sst s9;
	s0 =	simm.s32 @!p0 $0x0  }
0x12: {  	s1 =	sld [smem:$0x3F92];
	s0 =	simm.s32 @p0 $0x1  }
0x13: {  	[smem:$0x3FAD] =	sst s0;
	s0 =	simm.s32 @!p1 $0x0  }
0x14: {  	s2 =	sld [smem:$0x3F91];
	s0 =	simm.s32 @p1 $0x1  }
0x15: {  	[smem:$0x3FAE] =	sst s0;
	s0 =	simm.s32 @!p2 $0x0  }
0x16: {  	s3 =	sld [smem:$0x3FDB];
	s0 =	simm.s32 @p2 $0x1  }
0x17: {  	s4 =	simm.s32 $0x1BF5;
	[smem:$0x3FB0] =	sst s0  }
0x18: {  	s0 =	sld [smem:$0x3F93];
	_ =	swait.ge [sflag:s4], $0x0  }
0x19: {  	s7 =	sld [smem:$0x3F94]  }
0x1a: {  	s8 =	sadd.s32 $0xFFFFE003, lr  }
0x1b: {  	s9 =	sadd.s32 $0xFFFFFEF7, lr;
	s5 =	simm.s32 $0xFFFFFFFF;
	p2 =	slt.u32 s8, $0xFFFFF086  }
0x1c: {  	p1 =	slt.u32 s9, $0xF7A;
	s5 =	simm.s32 @!p2 $0x0  }
0x1d: {  	s5 =	simm.s32 @p1 $0x1;
	p0 =	seq.s32 s7, s2  }
0x1e: {  	s7 =	smul.u32 @!p0 $0xF7A, s2;
	p2 =	seq.s32 @!p0 s5, $0x0  }
0x1f: {  	s9 =	smul.u32 $0xF7A, s1;
	s8 =	simm.s32 @!p0 $0x1BF5;
	p2 =	por !p2, p0  }
0x20: {  	[sflag:s8] =	ssyncset.s32 @!p0 $0xFFFFF086;
	s6 =	sadd.s32 @!p0 s3, s7;
	s7 =	simm.s32 @!p0 $0x108  }
0x21: {  	s3 =	sadd.s32 s3, s9;
	s6 =	sadd.s32 @!p0 $0x88, s6;
	s7 =	simm.s32 @p2 $0x1082  }
0x22: {  	[simem:s7], [sflag:s8] =	dma.local @!p0 [hbm:s6], $0xF7A  }
0x23: {  	s9 =	sor.u32 $0xD0000000, s2;
	s6 =	simm.s32 $0x108;
	_ =	swait.ge @!p0 [sflag:s8], $0x0  }
0x24: {  	s3 =	sadd.s32 $0x88, s3;
	s6 =	simm.s32 @!p1 $0x1082;
	[sflag:s4] =	ssyncset.s32 $0xFFFFF086  }
0x25: {  	[simem:s6], [sflag:s4] =	dma.local [hbm:s3], $0xF7A  }
0x26: {  	[smem:$0x3F94] =	sst s1;
	(tag) =	ssettag s2;
	_ =	strace s9  }
0x27: {  	s1 =	sld [smem:$0x3FA4]  }
0x28: {  	s2 =	sld [smem:$0x3FA5]  }
0x29: {  	s4 =	sld [smem:$0x3FA7]  }
0x2a: {  	p0 =	seq.s32 s5, $0x0;
	s5 =	sld [smem:$0x3FA8]  }
0x2b: {  	s6 =	sld [smem:$0x3FA9]  }
0x2c: {  	s7 =	sld [smem:$0x3FAA]  }
0x2d: {  	s3 =	simm.s32 $0x108;
	s8 =	sld [smem:$0x3FAB]  }
0x2e: {  	s3 =	simm.s32 @!p0 $0x1082;
	s9 =	sld [smem:$0x3FAC]  }
0x2f: {  	lr =	sadd.s32 s0, s3;
	s0 =	sld [smem:$0x3FA3]  }
0x30: {  	s3 =	sld [smem:$0x3FA6]  }
0x31: {  	[smem:$0x3FAF] =	sst s10  }
0x32: {  	s10 =	sld [smem:$0x3FAD];
	_ =	sdelay $0x3  }
0x33: {  	p0 =	seq.s32 s10, $0x1;
	s10 =	sld [smem:$0x3FAF];
	_ =	sdelay $0x3  }
0x34: {  	[smem:$0x3FAF] =	sst s10  }
0x35: {  	s10 =	sld [smem:$0x3FAE];
	_ =	sdelay $0x3  }
0x36: {  	p1 =	seq.s32 s10, $0x1;
	s10 =	sld [smem:$0x3FAF];
	_ =	sdelay $0x3  }
0x37: {  	[smem:$0x3FAF] =	sst s10  }
0x38: {  	s10 =	sld [smem:$0x3FB0]  }
0x39: {  	_ = 	snop;
	(pc) =	sbr.ind lr, $3  }
0x3a: {  	_ = 	snop  }
0x3b: {  	_ = 	snop  }
0x3c: {  	p2 =	seq.s32 s10, $0x1;
	s10 =	sld [smem:$0x3FAF]  }
0x3d: {  	_ =	shalt  }
0x3e: {  	_ =	shalt  }
0x3f: {  	_ =	shalt  }
0x40: {  	_ =	shalt  }
0x41: {  	_ =	shalt  }
0x42: {  	_ =	shalt  }
0x43: {  	_ =	shalt  }
0x44: {  	_ =	shalt  }
0x45: {  	_ =	shalt  }
0x46: {  	_ =	shalt  }
0x47: {  	_ =	shalt  }
0x48: {  	_ =	shalt  }
0x49: {  	_ =	shalt  }
0x4a: {  	_ =	shalt  }
0x4b: {  	_ =	shalt  }
0x4c: {  	_ =	shalt  }
0x4d: {  	_ =	shalt  }
0x4e: {  	_ =	shalt  }
0x4f: {  	_ =	shalt  }
0x50: {  	_ =	shalt  }
0x51: {  	_ =	shalt  }
0x52: {  	_ =	shalt  }
0x53: {  	_ =	shalt  }
0x54: {  	_ =	shalt  }
0x55: {  	_ =	shalt  }
0x56: {  	_ =	shalt  }
0x57: {  	_ =	shalt  }
0x58: {  	_ =	shalt  }
0x59: {  	_ =	shalt  }
0x5a: {  	_ =	shalt  }
0x5b: {  	_ =	shalt  }
0x5c: {  	_ =	shalt  }
0x5d: {  	_ =	shalt  }
0x5e: {  	_ =	shalt  }
0x5f: {  	_ =	shalt  }
0x60: {  	_ =	shalt  }
0x61: {  	_ =	shalt  }
0x62: {  	_ =	shalt  }
0x63: {  	_ =	shalt  }
0x64: {  	_ =	shalt  }
0x65: {  	_ =	shalt  }
0x66: {  	_ =	shalt  }
0x67: {  	_ =	shalt  }
0x68: {  	_ =	shalt  }
0x69: {  	_ =	shalt  }
0x6a: {  	_ =	shalt  }
0x6b: {  	_ =	shalt  }
0x6c: {  	_ =	shalt  }
0x6d: {  	_ =	shalt  }
0x6e: {  	_ =	shalt  }
0x6f: {  	_ =	shalt  }
0x70: {  	_ =	shalt  }
0x71: {  	_ =	shalt  }
0x72: {  	_ =	shalt  }
0x73: {  	_ =	shalt  }
0x74: {  	_ =	shalt  }
0x75: {  	_ =	shalt  }
0x76: {  	_ =	shalt  }
0x77: {  	_ =	shalt  }
0x78: {  	_ =	shalt  }
0x79: {  	_ =	shalt  }
0x7a: {  	_ =	shalt  }
0x7b: {  	_ =	shalt  }
0x7c: {  	_ =	shalt  }
0x7d: {  	_ =	shalt  }
0x7e: {  	_ =	shalt  }
0x7f: {  	_ =	shalt  }
0x80: {  	_ =	shalt  }
0x81: {  	_ =	shalt  }
0x82: {  	_ =	shalt  }
0x83: {  	_ =	shalt  }
0x84: {  	_ =	shalt  }
0x85: {  	_ =	shalt  }
0x86: {  	_ =	shalt  }
0x87: {  	_ =	shalt  }
.Lfunc_end0:
.L_simem_size_0:
called_computation.1_lowered:
.L_overlay_start_0:
0x88: {  	s2 =	sld [smem:$0x3FD9]  }
0x89: {  	s3 =	sld [smem:$0x3FFE];
	_ =	sdelay $0x1  }
0x8a: {  	s1 =	srdreg.scid  }
0x8b: {  	s0 =	sand.u32 $0x1, s1  }
0x8c: {  	s16 =	sshll.u32 s0, $0xA;
	s2 =	sadd.s32 s3, s2  }
0x8d: {  	s2 =	sadd.s32 s2, s16  }
0x8e: {  	[smem:$0x3FBB] =	sst s2  }
0x8f: {  	_ = 	snop  }
0x90: {  	(tm) =	ssettm $0x1  }
0x91: {  	s17 =	sld [smem:$0x3FFB];
	_ =	sdelay $0x3  }
0x92: {  	_ =	strace s17  }
0x93: {  	s2 =	sld [smem:$0x3FFC];
	_ =	sdelay $0x3  }
0x94: {  	_ =	strace s2  }
0x95: {  	s2 =	sld [smem:$0x3FFD];
	_ =	sdelay $0x3  }
0x96: {  	_ =	strace s2  }
0x97: {  	_ =	strace $0x8FFFFFFF  }
0x98: {  	s18 =	sld [smem:$0x3FDB];
	_ =	sdelay $0x1  }
0x99: {  	s19 =	simm.s32 $_scs_section_size  }
0x9a: {  	s4 =	simm.s32 $_size__tile_overlayer_lowered;
	s5 =	simm.s32 $_tile_overlayer_lowered  }
0x9b: {  	s22 =	simm.s32 $0x1BFF;
	s21 =	sshll.u32 s5, $0x1;
	s2 =	sadd.s32 s19, s18  }
0x9c: {  	s6 =	simm.s32 $0x0;
	s20 =	sshll.u32 s4, $0x1;
	s4 =	sadd.s32 s21, s2  }
0x9d: {  	[timem:s6], [sflag:s22] =	dma.local [hbm:s4], s20  }
0x9e: {  	_ =	swait.ge [sflag:s22], s20  }
0x9f: {  	s3 =	ssub.s32 $0x0, s20;
	[sflag:s22] =	ssyncset.done $0x0  }
0xa0: {  	[sflag:s22] =	ssyncadd.s32 s3;
	_ =	sdelay $0x1  }
0xa1: {  	s23 =	simm.s32 $0x1B8B  }
0xa2: {  	_ =	swait.ge [sflag:s23], $0x1  }
0xa3: {  	[sflag:s23] =	ssyncset.done $0x0  }
0xa4: {  	s25 =	simm.s32 $0x1B8E;
	s24 =	sld [smem:$0x3FFE];
	[sflag:s23] =	ssyncadd.s32 $0xFFFFFFFF  }
0xa5: {  	s26 =	simm.s32 $execute0_lowered;
	[smem:$0x3FD2] =	sst s25  }
0xa6: {  	s4 =	sshll.u32 s26, $0x1;
	_ =	strace $0x80000049;
	[dreg:$0x1] =	wrdreg $0xFFFFFFFF  }
0xa7: {  	s28 =	simm.s32 $_size_execute0_lowered;
	s2 =	sadd.s32 s2, s4;
	[dreg:$0x0] =	wrdreg $0x0  }
0xa8: {  	s4 =	sshll.u32 s28, $0x1;
	[dreg:$0x2] =	wrdreg s2  }
0xa9: {  	[dreg:$0x3] =	wrdreg s4  }
0xaa: {  	[dreg:$0x4] =	wrdreg $0xC0  }
0xab: {  	_ =	task [dreg:s6], $0x5FFFF  }
0xac: {  	[dreg:$0x1] =	wrdreg $0xFFFFFFFF  }
0xad: {  	[dreg:$0x0] =	wrdreg $0x60  }
0xae: {  	[dreg:$0x2] =	wrdreg s24  }
0xaf: {  	[dreg:$0x3] =	wrdreg $0xA0000  }
0xb0: {  	[dreg:$0x4] =	wrdreg $0x9  }
0xb1: {  	_ =	task.clear_ibuf [dreg:s6], $0x5FFFF;
	_ =	strace $0x90000049  }
0xb2: {  	s29 =	simm.s32 $0x9;
	_ =	strace $0x8000004B  }
0xb3: {  	_ =	swait.ge [sflag:s29], $0x1  }
0xb4: {  	[sflag:s29] =	ssyncadd.s32 $0xFFFFFFFF  }
0xb5: {  	_ =	strace $0x9000004B  }
0xb6: {  	_ =	sfence  }
0xb7: {  	s30 =	sld [smem:$0x0];
	_ =	sdelay $0x2  }
0xb8: {  	s31 =	sshll.u32 s1, $0xD;
	s1 =	sshrl.u32 s1, $0x2  }
0xb9: {  	s3 =	sand.u32 $0x4000, s31;
	s1 =	sadd.s32 s1, s30  }
0xba: {  	s0 =	sor.u32 s3, s0;
	s1 =	sshll.u32 s1, $0x11  }
0xbb: {  	s0 =	sor.u32 s1, s0  }
0xbc: {  	s0 =	sadd.s32 $0x8F2B, s0  }
0xbd: {  	[sflag:s0] =	ssyncadd.remote.s32 $0x1  }
0xbe: {  	_ =	sfence.sel $0xFFFF  }
0xbf: {  	[dreg:$0x0] =	wrdreg $0xFFFFFFFF;
	(pc) =	sbr.abs _section_cstart, $3  }
0xc0: {  	[dreg:$0x1] =	wrdreg $0xFFFFFFFF  }
0xc1: {  	_ =	task.clear_ibuf [dreg:s6], $0x2FFFF;
	_ =	strace $0x9FFFFFFF  }
0xc2: {  	(tm) =	ssettm $0x7FFFFFFF  }
0xc3: {  	_ =	shalt  }
tec
execute0_lowered:
.L_overlay_start_1:
0x0: {  	(tag) =	ssettag $0x1  }
0x1: {  	s5 =	rddreg [dreg:$0x0]  }
0x2: {  	s0 =	srdreg.scid;
	s2 =	rddreg [dreg:$0x1]  }
0x3: {  	s1 =	rddreg [dreg:$0x2];
	s7 =	sand.u32 $0x1, s0  }
0x4: {  	s3 =	simm.s32 $0x0;
	s0 =	stileid.u32;
	s4 =	smul.u32 $0x30000, s7  }
0x5: {  	s15 =	simm.s32 $0x6000;
	s16 =	simm.s32 $0x1;
	s6 =	smul.u32 $0x3000, s0  }
0x6: {  	s17 =	simm.s32 $0x0;
	[smem:$0x7FF] =	sst s3;
	s28 =	smul.u32 $0x14000, s0  }
0x7: {  	s9 =	smul.u32 $0x140000, s7;
	_ =	strace $0x8000004A;
	s29 =	ssub.s32 $0x2, s7  }
0x8: {  	s12 =	smul.u32 $0x50000, s0;
	p0 =	seq.s32 s7, $0x0;
	s7 =	simm.s32 $0x5F  }
0x9: {  	s31 =	sshll.u32 s0, $0x6;
	s11 =	sshrl.u32 s29, $0x1;
	s7 =	simm.s32 @!p0 $0x3E  }
0xa: {  	s4 =	sadd.s32 s6, s4;
	s10 =	sshrl.u32 s28, $0x3;
	s6 =	sadd.s32 s28, s9  }
0xb: {  	s11 =	ssub.s32 s29, s11;
	s30 =	sshrl.u32 s12, $0x2;
	s12 =	sor.u32 $0x1C02, s31  }
0xc: {  	s8 =	sshrl.u32 s4, $0x3;
	s4 =	sadd.s32 $0x9F200, s5;
	s6 =	sshrl.u32 s6, $0x3  }
0xd: {  	s10 =	sadd.s32 s10, s5;
	s14 =	sadd.s32 s30, s2;
	s8 =	sadd.s32 s8, s5  }
0xe: {  	s13 =	sadd.s32 s6, s5;
	s5 =	sadd.s32 $0x87200, s8;
	s6 =	sadd.s32 $0x93200, s8  }
0xf: {  	s8 =	sadd.s32 $0xEA00, s10;
	s9 =	sadd.s32 $0xC7200, s13;
	s10 =	smax.u32 s11, $0x1  }
0x10: {  	s11 =	simm.s32 $0x2;
	s13 =	sshrl.u32 s14, $0x3;
	s14 =	simm.s32 $0x80  }
.LBB2_1:
0x11: {  	[tilespmem:s3], [sflag:$0x2] =	stream.linear.gather [hbm4b:s5+s3], $0x2F80, $0x38;
	[tilespmem:$0x1E000] =	vst v63  }
0x12: {  	_ =	swait.ge [sflag:s11], $0x2F80  }
0x13: {  	[sflag:s11] =	ssyncset.done $0x0  }
0x14: {  	s18 =	simm.s32 $0x3000;
	[sflag:s11] =	ssyncadd.s32 $0xFFFFD080  }
0x15: {  	[tilespmem:s18], [sflag:$0x2] =	stream.linear.gather [hbm4b:s6+s3], $0x2F80, $0x38;
	[tilespmem:$0x1E000] =	vst v63  }
0x16: {  	_ =	swait.ge [sflag:s11], $0x2F80  }
0x17: {  	[sflag:s11] =	ssyncset.done $0x0  }
0x18: {  	[sflag:s11] =	ssyncadd.s32 $0xFFFFD080  }
0x19: {  	[spmem:s13], [sflag:s12] =	dma.local [hbm:s8], $0x2800  }
0x1a: {  	_ =	swait.ge [sflag:s11], $0x2800  }
0x1b: {  	[sflag:s11] =	ssyncset.done $0x0  }
0x1c: {  	[sflag:s11] =	ssyncadd.s32 $0xFFFFD800  }
0x1d: {  	[bflag:$0x0] =	sbarrier.arrive $0xFFFF  }
0x1e: {  	[tilespmem:s15], [sflag:$0x1] =	stream.indirect.gather [hbm4b:s4+s14], $0x80, s3, s14, $0xb8;
	[tilespmem:$0x1E000] =	vst v63  }
0x1f: {  	p0 =	sne.s32 s7, $0x1;
	_ =	swait.ge [sflag:s16], $0x4000  }
.Ltmp0:
0x20: {  	[sflag:s16] =	ssyncset.done $0x0;
	(pc) =	sbr.rel @!p0 .LBB2_3-.Ltmp0, $4  }
0x21: {  	[sflag:s16] =	ssyncadd.s32 $0xFFFFC000  }
0x22: {  	[spmem:s2] =	stream.indirect.scatter.add.f32 [tilespmem:s15], [sflag:$0x2], $0x80, s18, s14, $0xb8;
	[tilespmem:$0x1E000] =	vst v63  }
0x23: {  	_ =	swait.ge [sflag:s11], $0x4000  }
0x24: {  	s19 =	sadd.s32 $0xFFFFFFFF, s7;
	s20 =	simm.s32 $0x0;
	[sflag:s11] =	ssyncset.done $0x0  }
.LBB2_2:
0x25: {  	[sflag:s11] =	ssyncadd.s32 $0xFFFFC000;
	s20 =	sadd.s32 $0x80, s20;
	s18 =	sadd.s32 $0x80, s18  }
0x26: {  	[tilespmem:s15], [sflag:$0x1] =	stream.indirect.gather [hbm4b:s4+s14], $0x80, s20, s14, $0xb8;
	[tilespmem:$0x1E000] =	vst v63  }
0x27: {  	p0 =	sne.s32 s19, $0x1;
	s19 =	sadd.s32 $0xFFFFFFFF, s19;
	_ =	swait.ge [sflag:s16], $0x4000  }
.Ltmp1:
0x28: {  	[sflag:s16] =	ssyncset.done $0x0;
	(pc) =	sbr.rel @p0 .LBB2_2-.Ltmp1, $4  }
0x29: {  	[sflag:s16] =	ssyncadd.s32 $0xFFFFC000  }
0x2a: {  	[spmem:s2] =	stream.indirect.scatter.add.f32 [tilespmem:s15], [sflag:$0x2], $0x80, s18, s14, $0xb8;
	[tilespmem:$0x1E000] =	vst v63  }
0x2b: {  	_ =	swait.ge [sflag:s11], $0x4000  }
0x2c: {  	[sflag:s11] =	ssyncset.done $0x0  }
.LBB2_3:
0x2d: {  	s17 =	sadd.s32 $0x1, s17  }
0x2e: {  	[sflag:s11] =	ssyncadd.s32 $0xFFFFC000;
	p0 =	sne.s32 s17, s10  }
.Ltmp2:
0x2f: {  	[bflag:$0x0] =	sbarrier.arrive $0xFFFF;
	(pc) =	sbr.rel @p0 .LBB2_1-.Ltmp2, $4  }
0x30: {  	[hbm:s9], [sflag:s12] =	dma.local [spmem:s13], $0x2800  }
0x31: {  	_ =	swait.ge [sflag:s11], $0x2800  }
0x32: {  	[sflag:s11] =	ssyncset.done $0x0  }
0x33: {  	[sflag:s11] =	ssyncadd.s32 $0xFFFFD800  }
0x34: {  	_ =	sfence.sel $0x180000  }
0x35: {  	[bflag:$0x0] =	sbarrier.arrive $0xFFFF  }
0x36: {  	p0 =	sne.s32 s0, $0x0;
	_ =	strace $0x9000004A  }
0x37: {  	s0 =	sadd.s32 @!p0 $0x100000, s1;
	[bflag:$0x2] =	sbarrier.arrive $0xFFFF  }
0x38: {  	[sflag:s0] =	ssyncadd.tile.s32 @!p0 $0x1;
	_ =	shalt  }
.Lfunc_end2:
_tile_overlayer_lowered:
.L_overlay_start_2:
0x39: {  	(tag) =	ssettag $0x2  }
0x3a: {  	s0 =	rddreg [dreg:$0x0];
	s2 =	stileid.u32  }
0x3b: {  	s1 =	rddreg [dreg:$0x1];
	p0 =	sne.s32 s2, $0x0  }
0x3c: {  	s3 =	rddreg [dreg:$0x2];
	[bflag:$0x3] =	sbarrier.arrive $0xFFFF;
	s2 =	simm.s32 @!p0 $0x1C02  }
0x3d: {  	[timem:s3], [sflag:s2] =	dma.local @!p0 [hbm:s0], s1  }
0x3e: {  	s0 =	simm.s32 @!p0 $0x2  }
0x3f: {  	_ =	swait.ge @!p0 [sflag:s0], s1  }
0x40: {  	s1 =	ssub.s32 @!p0 $0x0, s1;
	[sflag:s0] =	ssyncset.done @!p0 $0x0  }
0x41: {  	[sflag:s0] =	ssyncadd.s32 @!p0 s1  }
0x42: {  	[bflag:$0x3] =	sbarrier.arrive $0xFFFF  }
0x43: {  	_ =	shalt  }

// kernel: kernel.17.cloned.1.call-start
scs
__scs_entry_jumppad:
0x0: {  	(pc) =	sbr.rel $0x88, $3  }
0x1: {  	(tag) =	ssettag $0x0;
	lr =	simm.s32 $0x1  }
0x2: {  	[smem:$0x3F94] =	sst lr;
	_ =	strace $0xD0000000  }
0x3: {  	_ = 	snop  }
0x4: {  	_ = 	snop  }
0x5: {  	_ = 	snop  }
0x6: {  	_ = 	snop  }
0x7: {  	_ = 	snop  }
__scs_overlays_trampoline_lowered:
0x8: {  	[smem:$0x3FA3] =	sst s0  }
0x9: {  	[smem:$0x3FA4] =	sst s1  }
0xa: {  	[smem:$0x3FA5] =	sst s2  }
0xb: {  	[smem:$0x3FA6] =	sst s3  }
0xc: {  	[smem:$0x3FA7] =	sst s4  }
0xd: {  	[smem:$0x3FA8] =	sst s5  }
0xe: {  	[smem:$0x3FA9] =	sst s6  }
0xf: {  	[smem:$0x3FAA] =	sst s7  }
0x10: {  	[smem:$0x3FAB] =	sst s8  }
0x11: {  	[smem:$0x3FAC] =	sst s9;
	s0 =	simm.s32 @!p0 $0x0  }
0x12: {  	s1 =	sld [smem:$0x3F92];
	s0 =	simm.s32 @p0 $0x1  }
0x13: {  	[smem:$0x3FAD] =	sst s0;
	s0 =	simm.s32 @!p1 $0x0  }
0x14: {  	s2 =	sld [smem:$0x3F91];
	s0 =	simm.s32 @p1 $0x1  }
0x15: {  	[smem:$0x3FAE] =	sst s0;
	s0 =	simm.s32 @!p2 $0x0  }
0x16: {  	s3 =	sld [smem:$0x3FDB];
	s0 =	simm.s32 @p2 $0x1  }
0x17: {  	s4 =	simm.s32 $0x1BF5;
	[smem:$0x3FB0] =	sst s0  }
0x18: {  	s0 =	sld [smem:$0x3F93];
	_ =	swait.ge [sflag:s4], $0x0  }
0x19: {  	s7 =	sld [smem:$0x3F94]  }
0x1a: {  	s8 =	sadd.s32 $0xFFFFE003, lr  }
0x1b: {  	s9 =	sadd.s32 $0xFFFFFEF7, lr;
	s5 =	simm.s32 $0xFFFFFFFF;
	p2 =	slt.u32 s8, $0xFFFFF086  }
0x1c: {  	p1 =	slt.u32 s9, $0xF7A;
	s5 =	simm.s32 @!p2 $0x0  }
0x1d: {  	s5 =	simm.s32 @p1 $0x1;
	p0 =	seq.s32 s7, s2  }
0x1e: {  	s7 =	smul.u32 @!p0 $0xF7A, s2;
	p2 =	seq.s32 @!p0 s5, $0x0  }
0x1f: {  	s9 =	smul.u32 $0xF7A, s1;
	s8 =	simm.s32 @!p0 $0x1BF5;
	p2 =	por !p2, p0  }
0x20: {  	[sflag:s8] =	ssyncset.s32 @!p0 $0xFFFFF086;
	s6 =	sadd.s32 @!p0 s3, s7;
	s7 =	simm.s32 @!p0 $0x108  }
0x21: {  	s3 =	sadd.s32 s3, s9;
	s6 =	sadd.s32 @!p0 $0x88, s6;
	s7 =	simm.s32 @p2 $0x1082  }
0x22: {  	[simem:s7], [sflag:s8] =	dma.local @!p0 [hbm:s6], $0xF7A  }
0x23: {  	s9 =	sor.u32 $0xD0000000, s2;
	s6 =	simm.s32 $0x108;
	_ =	swait.ge @!p0 [sflag:s8], $0x0  }
0x24: {  	s3 =	sadd.s32 $0x88, s3;
	s6 =	simm.s32 @!p1 $0x1082;
	[sflag:s4] =	ssyncset.s32 $0xFFFFF086  }
0x25: {  	[simem:s6], [sflag:s4] =	dma.local [hbm:s3], $0xF7A  }
0x26: {  	[smem:$0x3F94] =	sst s1;
	(tag) =	ssettag s2;
	_ =	strace s9  }
0x27: {  	s1 =	sld [smem:$0x3FA4]  }
0x28: {  	s2 =	sld [smem:$0x3FA5]  }
0x29: {  	s4 =	sld [smem:$0x3FA7]  }
0x2a: {  	p0 =	seq.s32 s5, $0x0;
	s5 =	sld [smem:$0x3FA8]  }
0x2b: {  	s6 =	sld [smem:$0x3FA9]  }
0x2c: {  	s7 =	sld [smem:$0x3FAA]  }
0x2d: {  	s3 =	simm.s32 $0x108;
	s8 =	sld [smem:$0x3FAB]  }
0x2e: {  	s3 =	simm.s32 @!p0 $0x1082;
	s9 =	sld [smem:$0x3FAC]  }
0x2f: {  	lr =	sadd.s32 s0, s3;
	s0 =	sld [smem:$0x3FA3]  }
0x30: {  	s3 =	sld [smem:$0x3FA6]  }
0x31: {  	[smem:$0x3FAF] =	sst s10  }
0x32: {  	s10 =	sld [smem:$0x3FAD];
	_ =	sdelay $0x3  }
0x33: {  	p0 =	seq.s32 s10, $0x1;
	s10 =	sld [smem:$0x3FAF];
	_ =	sdelay $0x3  }
0x34: {  	[smem:$0x3FAF] =	sst s10  }
0x35: {  	s10 =	sld [smem:$0x3FAE];
	_ =	sdelay $0x3  }
0x36: {  	p1 =	seq.s32 s10, $0x1;
	s10 =	sld [smem:$0x3FAF];
	_ =	sdelay $0x3  }
0x37: {  	[smem:$0x3FAF] =	sst s10  }
0x38: {  	s10 =	sld [smem:$0x3FB0]  }
0x39: {  	_ = 	snop;
	(pc) =	sbr.ind lr, $3  }
0x3a: {  	_ = 	snop  }
0x3b: {  	_ = 	snop  }
0x3c: {  	p2 =	seq.s32 s10, $0x1;
	s10 =	sld [smem:$0x3FAF]  }
0x3d: {  	_ =	shalt  }
0x3e: {  	_ =	shalt  }
0x3f: {  	_ =	shalt  }
0x40: {  	_ =	shalt  }
0x41: {  	_ =	shalt  }
0x42: {  	_ =	shalt  }
0x43: {  	_ =	shalt  }
0x44: {  	_ =	shalt  }
0x45: {  	_ =	shalt  }
0x46: {  	_ =	shalt  }
0x47: {  	_ =	shalt  }
0x48: {  	_ =	shalt  }
0x49: {  	_ =	shalt  }
0x4a: {  	_ =	shalt  }
0x4b: {  	_ =	shalt  }
0x4c: {  	_ =	shalt  }
0x4d: {  	_ =	shalt  }
0x4e: {  	_ =	shalt  }
0x4f: {  	_ =	shalt  }
0x50: {  	_ =	shalt  }
0x51: {  	_ =	shalt  }
0x52: {  	_ =	shalt  }
0x53: {  	_ =	shalt  }
0x54: {  	_ =	shalt  }
0x55: {  	_ =	shalt  }
0x56: {  	_ =	shalt  }
0x57: {  	_ =	shalt  }
0x58: {  	_ =	shalt  }
0x59: {  	_ =	shalt  }
0x5a: {  	_ =	shalt  }
0x5b: {  	_ =	shalt  }
0x5c: {  	_ =	shalt  }
0x5d: {  	_ =	shalt  }
0x5e: {  	_ =	shalt  }
0x5f: {  	_ =	shalt  }
0x60: {  	_ =	shalt  }
0x61: {  	_ =	shalt  }
0x62: {  	_ =	shalt  }
0x63: {  	_ =	shalt  }
0x64: {  	_ =	shalt  }
0x65: {  	_ =	shalt  }
0x66: {  	_ =	shalt  }
0x67: {  	_ =	shalt  }
0x68: {  	_ =	shalt  }
0x69: {  	_ =	shalt  }
0x6a: {  	_ =	shalt  }
0x6b: {  	_ =	shalt  }
0x6c: {  	_ =	shalt  }
0x6d: {  	_ =	shalt  }
0x6e: {  	_ =	shalt  }
0x6f: {  	_ =	shalt  }
0x70: {  	_ =	shalt  }
0x71: {  	_ =	shalt  }
0x72: {  	_ =	shalt  }
0x73: {  	_ =	shalt  }
0x74: {  	_ =	shalt  }
0x75: {  	_ =	shalt  }
0x76: {  	_ =	shalt  }
0x77: {  	_ =	shalt  }
0x78: {  	_ =	shalt  }
0x79: {  	_ =	shalt  }
0x7a: {  	_ =	shalt  }
0x7b: {  	_ =	shalt  }
0x7c: {  	_ =	shalt  }
0x7d: {  	_ =	shalt  }
0x7e: {  	_ =	shalt  }
0x7f: {  	_ =	shalt  }
0x80: {  	_ =	shalt  }
0x81: {  	_ =	shalt  }
0x82: {  	_ =	shalt  }
0x83: {  	_ =	shalt  }
0x84: {  	_ =	shalt  }
0x85: {  	_ =	shalt  }
0x86: {  	_ =	shalt  }
0x87: {  	_ =	shalt  }
.Lfunc_end0:
.L_simem_size_0:
called_computation.2_lowered:
.L_overlay_start_0:
0x88: {  	s2 =	sld [smem:$0x3FD9]  }
0x89: {  	s3 =	sld [smem:$0x3FFE];
	_ =	sdelay $0x1  }
0x8a: {  	s1 =	srdreg.scid  }
0x8b: {  	s0 =	sand.u32 $0x1, s1  }
0x8c: {  	s16 =	sshll.u32 s0, $0xA;
	s2 =	sadd.s32 s3, s2  }
0x8d: {  	s2 =	sadd.s32 s2, s16  }
0x8e: {  	[smem:$0x3FBB] =	sst s2  }
0x8f: {  	_ = 	snop  }
0x90: {  	(tm) =	ssettm $0x1  }
0x91: {  	s17 =	sld [smem:$0x3FFB];
	_ =	sdelay $0x3  }
0x92: {  	_ =	strace s17  }
0x93: {  	s2 =	sld [smem:$0x3FFC];
	_ =	sdelay $0x3  }
0x94: {  	_ =	strace s2  }
0x95: {  	s2 =	sld [smem:$0x3FFD];
	_ =	sdelay $0x3  }
0x96: {  	_ =	strace s2  }
0x97: {  	_ =	strace $0x8FFFFFFF  }
0x98: {  	s18 =	sld [smem:$0x3FDB];
	_ =	sdelay $0x1  }
0x99: {  	s19 =	simm.s32 $_scs_section_size  }
0x9a: {  	s4 =	simm.s32 $_size__tile_overlayer_lowered;
	s5 =	simm.s32 $_tile_overlayer_lowered  }
0x9b: {  	s22 =	simm.s32 $0x1BFF;
	s21 =	sshll.u32 s5, $0x1;
	s2 =	sadd.s32 s19, s18  }
0x9c: {  	s6 =	simm.s32 $0x0;
	s20 =	sshll.u32 s4, $0x1;
	s4 =	sadd.s32 s21, s2  }
0x9d: {  	[timem:s6], [sflag:s22] =	dma.local [hbm:s4], s20  }
0x9e: {  	_ =	swait.ge [sflag:s22], s20  }
0x9f: {  	s3 =	ssub.s32 $0x0, s20;
	[sflag:s22] =	ssyncset.done $0x0  }
0xa0: {  	[sflag:s22] =	ssyncadd.s32 s3;
	_ =	sdelay $0x1  }
0xa1: {  	s23 =	simm.s32 $0x1B8B  }
0xa2: {  	_ =	swait.ge [sflag:s23], $0x1  }
0xa3: {  	[sflag:s23] =	ssyncset.done $0x0  }
0xa4: {  	s25 =	simm.s32 $0x1B8E;
	s24 =	sld [smem:$0x3FFE];
	[sflag:s23] =	ssyncadd.s32 $0xFFFFFFFF  }
0xa5: {  	s26 =	simm.s32 $execute0_lowered;
	[smem:$0x3FD2] =	sst s25  }
0xa6: {  	s4 =	sshll.u32 s26, $0x1;
	_ =	strace $0x8000004C;
	[dreg:$0x1] =	wrdreg $0xFFFFFFFF  }
0xa7: {  	s28 =	simm.s32 $_size_execute0_lowered;
	s2 =	sadd.s32 s2, s4;
	[dreg:$0x0] =	wrdreg $0x0  }
0xa8: {  	s4 =	sshll.u32 s28, $0x1;
	[dreg:$0x2] =	wrdreg s2  }
0xa9: {  	[dreg:$0x3] =	wrdreg s4  }
0xaa: {  	[dreg:$0x4] =	wrdreg $0xC0  }
0xab: {  	_ =	task [dreg:s6], $0x5FFFF  }
0xac: {  	[dreg:$0x1] =	wrdreg $0xFFFFFFFF  }
0xad: {  	[dreg:$0x0] =	wrdreg $0x60  }
0xae: {  	[dreg:$0x2] =	wrdreg s24  }
0xaf: {  	[dreg:$0x3] =	wrdreg $0xA0000  }
0xb0: {  	[dreg:$0x4] =	wrdreg $0x9  }
0xb1: {  	_ =	task.clear_ibuf [dreg:s6], $0x5FFFF;
	_ =	strace $0x9000004C  }
0xb2: {  	s29 =	simm.s32 $0x9;
	_ =	strace $0x8000004E  }
0xb3: {  	_ =	swait.ge [sflag:s29], $0x1  }
0xb4: {  	[sflag:s29] =	ssyncadd.s32 $0xFFFFFFFF  }
0xb5: {  	_ =	strace $0x9000004E  }
0xb6: {  	_ =	sfence  }
0xb7: {  	s30 =	sld [smem:$0x0];
	_ =	sdelay $0x2  }
0xb8: {  	s31 =	sshll.u32 s1, $0xD;
	s1 =	sshrl.u32 s1, $0x2  }
0xb9: {  	s3 =	sand.u32 $0x4000, s31;
	s1 =	sadd.s32 s1, s30  }
0xba: {  	s0 =	sor.u32 s3, s0;
	s1 =	sshll.u32 s1, $0x11  }
0xbb: {  	s0 =	sor.u32 s1, s0  }
0xbc: {  	s0 =	sadd.s32 $0x8F2B, s0  }
0xbd: {  	[sflag:s0] =	ssyncadd.remote.s32 $0x1  }
0xbe: {  	_ =	sfence.sel $0xFFFF  }
0xbf: {  	[dreg:$0x0] =	wrdreg $0xFFFFFFFF;
	(pc) =	sbr.abs _section_cstart, $3  }
0xc0: {  	[dreg:$0x1] =	wrdreg $0xFFFFFFFF  }
0xc1: {  	_ =	task.clear_ibuf [dreg:s6], $0x2FFFF;
	_ =	strace $0x9FFFFFFF  }
0xc2: {  	(tm) =	ssettm $0x7FFFFFFF  }
0xc3: {  	_ =	shalt  }
tec
execute0_lowered:
.L_overlay_start_1:
0x0: {  	(tag) =	ssettag $0x1  }
0x1: {  	s5 =	rddreg [dreg:$0x0]  }
0x2: {  	s0 =	srdreg.scid;
	s2 =	rddreg [dreg:$0x1]  }
0x3: {  	s1 =	rddreg [dreg:$0x2];
	s7 =	sand.u32 $0x1, s0  }
0x4: {  	s3 =	simm.s32 $0x0;
	s0 =	stileid.u32;
	s4 =	smul.u32 $0x30000, s7  }
0x5: {  	s15 =	simm.s32 $0x6000;
	s16 =	simm.s32 $0x1;
	s6 =	smul.u32 $0x3000, s0  }
0x6: {  	s17 =	simm.s32 $0x0;
	[smem:$0x7FF] =	sst s3;
	s28 =	smul.u32 $0x14000, s0  }
0x7: {  	s9 =	smul.u32 $0x140000, s7;
	_ =	strace $0x8000004D;
	s29 =	ssub.s32 $0x2, s7  }
0x8: {  	s12 =	smul.u32 $0x50000, s0;
	p0 =	seq.s32 s7, $0x0;
	s7 =	simm.s32 $0x5F  }
0x9: {  	s31 =	sshll.u32 s0, $0x6;
	s11 =	sshrl.u32 s29, $0x1;
	s7 =	simm.s32 @!p0 $0x3E  }
0xa: {  	s4 =	sadd.s32 s6, s4;
	s10 =	sshrl.u32 s28, $0x3;
	s6 =	sadd.s32 s28, s9  }
0xb: {  	s11 =	ssub.s32 s29, s11;
	s30 =	sshrl.u32 s12, $0x2;
	s12 =	sor.u32 $0x1C02, s31  }
0xc: {  	s8 =	sshrl.u32 s4, $0x3;
	s4 =	sadd.s32 $0x9F200, s5;
	s6 =	sshrl.u32 s6, $0x3  }
0xd: {  	s10 =	sadd.s32 s10, s5;
	s14 =	sadd.s32 s30, s2;
	s8 =	sadd.s32 s8, s5  }
0xe: {  	s13 =	sadd.s32 s6, s5;
	s5 =	sadd.s32 $0x87200, s8;
	s6 =	sadd.s32 $0x93200, s8  }
0xf: {  	s8 =	sadd.s32 $0xEA00, s10;
	s9 =	sadd.s32 $0xC7200, s13;
	s10 =	smax.u32 s11, $0x1  }
0x10: {  	s11 =	simm.s32 $0x2;
	s13 =	sshrl.u32 s14, $0x3;
	s14 =	simm.s32 $0x80  }
.LBB2_1:
0x11: {  	[tilespmem:s3], [sflag:$0x2] =	stream.linear.gather [hbm4b:s5+s3], $0x2F80, $0x38;
	[tilespmem:$0x1E000] =	vst v63  }
0x12: {  	_ =	swait.ge [sflag:s11], $0x2F80  }
0x13: {  	[sflag:s11] =	ssyncset.done $0x0  }
0x14: {  	s18 =	simm.s32 $0x3000;
	[sflag:s11] =	ssyncadd.s32 $0xFFFFD080  }
0x15: {  	[tilespmem:s18], [sflag:$0x2] =	stream.linear.gather [hbm4b:s6+s3], $0x2F80, $0x38;
	[tilespmem:$0x1E000] =	vst v63  }
0x16: {  	_ =	swait.ge [sflag:s11], $0x2F80  }
0x17: {  	[sflag:s11] =	ssyncset.done $0x0  }
0x18: {  	[sflag:s11] =	ssyncadd.s32 $0xFFFFD080  }
0x19: {  	[spmem:s13], [sflag:s12] =	dma.local [hbm:s8], $0x2800  }
0x1a: {  	_ =	swait.ge [sflag:s11], $0x2800  }
0x1b: {  	[sflag:s11] =	ssyncset.done $0x0  }
0x1c: {  	[sflag:s11] =	ssyncadd.s32 $0xFFFFD800  }
0x1d: {  	[bflag:$0x0] =	sbarrier.arrive $0xFFFF  }
0x1e: {  	[tilespmem:s15], [sflag:$0x1] =	stream.indirect.gather [hbm4b:s4+s14], $0x80, s3, s14, $0xb8;
	[tilespmem:$0x1E000] =	vst v63  }
0x1f: {  	p0 =	sne.s32 s7, $0x1;
	_ =	swait.ge [sflag:s16], $0x4000  }
.Ltmp0:
0x20: {  	[sflag:s16] =	ssyncset.done $0x0;
	(pc) =	sbr.rel @!p0 .LBB2_3-.Ltmp0, $4  }
0x21: {  	[sflag:s16] =	ssyncadd.s32 $0xFFFFC000  }
0x22: {  	[spmem:s2] =	stream.indirect.scatter.add.f32 [tilespmem:s15], [sflag:$0x2], $0x80, s18, s14, $0xb8;
	[tilespmem:$0x1E000] =	vst v63  }
0x23: {  	_ =	swait.ge [sflag:s11], $0x4000  }
0x24: {  	s19 =	sadd.s32 $0xFFFFFFFF, s7;
	s20 =	simm.s32 $0x0;
	[sflag:s11] =	ssyncset.done $0x0  }
.LBB2_2:
0x25: {  	[sflag:s11] =	ssyncadd.s32 $0xFFFFC000;
	s20 =	sadd.s32 $0x80, s20;
	s18 =	sadd.s32 $0x80, s18  }
0x26: {  	[tilespmem:s15], [sflag:$0x1] =	stream.indirect.gather [hbm4b:s4+s14], $0x80, s20, s14, $0xb8;
	[tilespmem:$0x1E000] =	vst v63  }
0x27: {  	p0 =	sne.s32 s19, $0x1;
	s19 =	sadd.s32 $0xFFFFFFFF, s19;
	_ =	swait.ge [sflag:s16], $0x4000  }
.Ltmp1:
0x28: {  	[sflag:s16] =	ssyncset.done $0x0;
	(pc) =	sbr.rel @p0 .LBB2_2-.Ltmp1, $4  }
0x29: {  	[sflag:s16] =	ssyncadd.s32 $0xFFFFC000  }
0x2a: {  	[spmem:s2] =	stream.indirect.scatter.add.f32 [tilespmem:s15], [sflag:$0x2], $0x80, s18, s14, $0xb8;
	[tilespmem:$0x1E000] =	vst v63  }
0x2b: {  	_ =	swait.ge [sflag:s11], $0x4000  }
0x2c: {  	[sflag:s11] =	ssyncset.done $0x0  }
.LBB2_3:
0x2d: {  	s17 =	sadd.s32 $0x1, s17  }
0x2e: {  	[sflag:s11] =	ssyncadd.s32 $0xFFFFC000;
	p0 =	sne.s32 s17, s10  }
.Ltmp2:
0x2f: {  	[bflag:$0x0] =	sbarrier.arrive $0xFFFF;
	(pc) =	sbr.rel @p0 .LBB2_1-.Ltmp2, $4  }
0x30: {  	[hbm:s9], [sflag:s12] =	dma.local [spmem:s13], $0x2800  }
0x31: {  	_ =	swait.ge [sflag:s11], $0x2800  }
0x32: {  	[sflag:s11] =	ssyncset.done $0x0  }
0x33: {  	[sflag:s11] =	ssyncadd.s32 $0xFFFFD800  }
0x34: {  	_ =	sfence.sel $0x180000  }
0x35: {  	[bflag:$0x0] =	sbarrier.arrive $0xFFFF  }
0x36: {  	p0 =	sne.s32 s0, $0x0;
	_ =	strace $0x9000004D  }
0x37: {  	s0 =	sadd.s32 @!p0 $0x100000, s1;
	[bflag:$0x2] =	sbarrier.arrive $0xFFFF  }
0x38: {  	[sflag:s0] =	ssyncadd.tile.s32 @!p0 $0x1;
	_ =	shalt  }
.Lfunc_end2:
_tile_overlayer_lowered:
.L_overlay_start_2:
0x39: {  	(tag) =	ssettag $0x2  }
0x3a: {  	s0 =	rddreg [dreg:$0x0];
	s2 =	stileid.u32  }
0x3b: {  	s1 =	rddreg [dreg:$0x1];
	p0 =	sne.s32 s2, $0x0  }
0x3c: {  	s3 =	rddreg [dreg:$0x2];
	[bflag:$0x3] =	sbarrier.arrive $0xFFFF;
	s2 =	simm.s32 @!p0 $0x1C02  }
0x3d: {  	[timem:s3], [sflag:s2] =	dma.local @!p0 [hbm:s0], s1  }
0x3e: {  	s0 =	simm.s32 @!p0 $0x2  }
0x3f: {  	_ =	swait.ge @!p0 [sflag:s0], s1  }
0x40: {  	s1 =	ssub.s32 @!p0 $0x0, s1;
	[sflag:s0] =	ssyncset.done @!p0 $0x0  }
0x41: {  	[sflag:s0] =	ssyncadd.s32 @!p0 s1  }
0x42: {  	[bflag:$0x3] =	sbarrier.arrive $0xFFFF  }
0x43: {  	_ =	shalt  }

// kernel: kernel.20.cloned.1.call-start
scs
__scs_entry_jumppad:
0x0: {  	(pc) =	sbr.rel $0x88, $3  }
0x1: {  	(tag) =	ssettag $0x0;
	lr =	simm.s32 $0x1  }
0x2: {  	[smem:$0x3F94] =	sst lr;
	_ =	strace $0xD0000000  }
0x3: {  	_ = 	snop  }
0x4: {  	_ = 	snop  }
0x5: {  	_ = 	snop  }
0x6: {  	_ = 	snop  }
0x7: {  	_ = 	snop  }
__scs_overlays_trampoline_lowered:
0x8: {  	[smem:$0x3FA3] =	sst s0  }
0x9: {  	[smem:$0x3FA4] =	sst s1  }
0xa: {  	[smem:$0x3FA5] =	sst s2  }
0xb: {  	[smem:$0x3FA6] =	sst s3  }
0xc: {  	[smem:$0x3FA7] =	sst s4  }
0xd: {  	[smem:$0x3FA8] =	sst s5  }
0xe: {  	[smem:$0x3FA9] =	sst s6  }
0xf: {  	[smem:$0x3FAA] =	sst s7  }
0x10: {  	[smem:$0x3FAB] =	sst s8  }
0x11: {  	[smem:$0x3FAC] =	sst s9;
	s0 =	simm.s32 @!p0 $0x0  }
0x12: {  	s1 =	sld [smem:$0x3F92];
	s0 =	simm.s32 @p0 $0x1  }
0x13: {  	[smem:$0x3FAD] =	sst s0;
	s0 =	simm.s32 @!p1 $0x0  }
0x14: {  	s2 =	sld [smem:$0x3F91];
	s0 =	simm.s32 @p1 $0x1  }
0x15: {  	[smem:$0x3FAE] =	sst s0;
	s0 =	simm.s32 @!p2 $0x0  }
0x16: {  	s3 =	sld [smem:$0x3FDB];
	s0 =	simm.s32 @p2 $0x1  }
0x17: {  	s4 =	simm.s32 $0x1BF5;
	[smem:$0x3FB0] =	sst s0  }
0x18: {  	s0 =	sld [smem:$0x3F93];
	_ =	swait.ge [sflag:s4], $0x0  }
0x19: {  	s7 =	sld [smem:$0x3F94]  }
0x1a: {  	s8 =	sadd.s32 $0xFFFFE003, lr  }
0x1b: {  	s9 =	sadd.s32 $0xFFFFFEF7, lr;
	s5 =	simm.s32 $0xFFFFFFFF;
	p2 =	slt.u32 s8, $0xFFFFF086  }
0x1c: {  	p1 =	slt.u32 s9, $0xF7A;
	s5 =	simm.s32 @!p2 $0x0  }
0x1d: {  	s5 =	simm.s32 @p1 $0x1;
	p0 =	seq.s32 s7, s2  }
0x1e: {  	s7 =	smul.u32 @!p0 $0xF7A, s2;
	p2 =	seq.s32 @!p0 s5, $0x0  }
0x1f: {  	s9 =	smul.u32 $0xF7A, s1;
	s8 =	simm.s32 @!p0 $0x1BF5;
	p2 =	por !p2, p0  }
0x20: {  	[sflag:s8] =	ssyncset.s32 @!p0 $0xFFFFF086;
	s6 =	sadd.s32 @!p0 s3, s7;
	s7 =	simm.s32 @!p0 $0x108  }
0x21: {  	s3 =	sadd.s32 s3, s9;
	s6 =	sadd.s32 @!p0 $0x88, s6;
	s7 =	simm.s32 @p2 $0x1082  }
0x22: {  	[simem:s7], [sflag:s8] =	dma.local @!p0 [hbm:s6], $0xF7A  }
0x23: {  	s9 =	sor.u32 $0xD0000000, s2;
	s6 =	simm.s32 $0x108;
	_ =	swait.ge @!p0 [sflag:s8], $0x0  }
0x24: {  	s3 =	sadd.s32 $0x88, s3;
	s6 =	simm.s32 @!p1 $0x1082;
	[sflag:s4] =	ssyncset.s32 $0xFFFFF086  }
0x25: {  	[simem:s6], [sflag:s4] =	dma.local [hbm:s3], $0xF7A  }
0x26: {  	[smem:$0x3F94] =	sst s1;
	(tag) =	ssettag s2;
	_ =	strace s9  }
0x27: {  	s1 =	sld [smem:$0x3FA4]  }
0x28: {  	s2 =	sld [smem:$0x3FA5]  }
0x29: {  	s4 =	sld [smem:$0x3FA7]  }
0x2a: {  	p0 =	seq.s32 s5, $0x0;
	s5 =	sld [smem:$0x3FA8]  }
0x2b: {  	s6 =	sld [smem:$0x3FA9]  }
0x2c: {  	s7 =	sld [smem:$0x3FAA]  }
0x2d: {  	s3 =	simm.s32 $0x108;
	s8 =	sld [smem:$0x3FAB]  }
0x2e: {  	s3 =	simm.s32 @!p0 $0x1082;
	s9 =	sld [smem:$0x3FAC]  }
0x2f: {  	lr =	sadd.s32 s0, s3;
	s0 =	sld [smem:$0x3FA3]  }
0x30: {  	s3 =	sld [smem:$0x3FA6]  }
0x31: {  	[smem:$0x3FAF] =	sst s10  }
0x32: {  	s10 =	sld [smem:$0x3FAD];
	_ =	sdelay $0x3  }
0x33: {  	p0 =	seq.s32 s10, $0x1;
	s10 =	sld [smem:$0x3FAF];
	_ =	sdelay $0x3  }
0x34: {  	[smem:$0x3FAF] =	sst s10  }
0x35: {  	s10 =	sld [smem:$0x3FAE];
	_ =	sdelay $0x3  }
0x36: {  	p1 =	seq.s32 s10, $0x1;
	s10 =	sld [smem:$0x3FAF];
	_ =	sdelay $0x3  }
0x37: {  	[smem:$0x3FAF] =	sst s10  }
0x38: {  	s10 =	sld [smem:$0x3FB0]  }
0x39: {  	_ = 	snop;
	(pc) =	sbr.ind lr, $3  }
0x3a: {  	_ = 	snop  }
0x3b: {  	_ = 	snop  }
0x3c: {  	p2 =	seq.s32 s10, $0x1;
	s10 =	sld [smem:$0x3FAF]  }
0x3d: {  	_ =	shalt  }
0x3e: {  	_ =	shalt  }
0x3f: {  	_ =	shalt  }
0x40: {  	_ =	shalt  }
0x41: {  	_ =	shalt  }
0x42: {  	_ =	shalt  }
0x43: {  	_ =	shalt  }
0x44: {  	_ =	shalt  }
0x45: {  	_ =	shalt  }
0x46: {  	_ =	shalt  }
0x47: {  	_ =	shalt  }
0x48: {  	_ =	shalt  }
0x49: {  	_ =	shalt  }
0x4a: {  	_ =	shalt  }
0x4b: {  	_ =	shalt  }
0x4c: {  	_ =	shalt  }
0x4d: {  	_ =	shalt  }
0x4e: {  	_ =	shalt  }
0x4f: {  	_ =	shalt  }
0x50: {  	_ =	shalt  }
0x51: {  	_ =	shalt  }
0x52: {  	_ =	shalt  }
0x53: {  	_ =	shalt  }
0x54: {  	_ =	shalt  }
0x55: {  	_ =	shalt  }
0x56: {  	_ =	shalt  }
0x57: {  	_ =	shalt  }
0x58: {  	_ =	shalt  }
0x59: {  	_ =	shalt  }
0x5a: {  	_ =	shalt  }
0x5b: {  	_ =	shalt  }
0x5c: {  	_ =	shalt  }
0x5d: {  	_ =	shalt  }
0x5e: {  	_ =	shalt  }
0x5f: {  	_ =	shalt  }
0x60: {  	_ =	shalt  }
0x61: {  	_ =	shalt  }
0x62: {  	_ =	shalt  }
0x63: {  	_ =	shalt  }
0x64: {  	_ =	shalt  }
0x65: {  	_ =	shalt  }
0x66: {  	_ =	shalt  }
0x67: {  	_ =	shalt  }
0x68: {  	_ =	shalt  }
0x69: {  	_ =	shalt  }
0x6a: {  	_ =	shalt  }
0x6b: {  	_ =	shalt  }
0x6c: {  	_ =	shalt  }
0x6d: {  	_ =	shalt  }
0x6e: {  	_ =	shalt  }
0x6f: {  	_ =	shalt  }
0x70: {  	_ =	shalt  }
0x71: {  	_ =	shalt  }
0x72: {  	_ =	shalt  }
0x73: {  	_ =	shalt  }
0x74: {  	_ =	shalt  }
0x75: {  	_ =	shalt  }
0x76: {  	_ =	shalt  }
0x77: {  	_ =	shalt  }
0x78: {  	_ =	shalt  }
0x79: {  	_ =	shalt  }
0x7a: {  	_ =	shalt  }
0x7b: {  	_ =	shalt  }
0x7c: {  	_ =	shalt  }
0x7d: {  	_ =	shalt  }
0x7e: {  	_ =	shalt  }
0x7f: {  	_ =	shalt  }
0x80: {  	_ =	shalt  }
0x81: {  	_ =	shalt  }
0x82: {  	_ =	shalt  }
0x83: {  	_ =	shalt  }
0x84: {  	_ =	shalt  }
0x85: {  	_ =	shalt  }
0x86: {  	_ =	shalt  }
0x87: {  	_ =	shalt  }
.Lfunc_end0:
.L_simem_size_0:
called_computation.3_lowered:
.L_overlay_start_0:
0x88: {  	s2 =	sld [smem:$0x3FD9]  }
0x89: {  	s3 =	sld [smem:$0x3FFE];
	_ =	sdelay $0x1  }
0x8a: {  	s1 =	srdreg.scid  }
0x8b: {  	s0 =	sand.u32 $0x1, s1  }
0x8c: {  	s16 =	sshll.u32 s0, $0xA;
	s2 =	sadd.s32 s3, s2  }
0x8d: {  	s2 =	sadd.s32 s2, s16  }
0x8e: {  	[smem:$0x3FBB] =	sst s2  }
0x8f: {  	_ = 	snop  }
0x90: {  	(tm) =	ssettm $0x1  }
0x91: {  	s17 =	sld [smem:$0x3FFB];
	_ =	sdelay $0x3  }
0x92: {  	_ =	strace s17  }
0x93: {  	s2 =	sld [smem:$0x3FFC];
	_ =	sdelay $0x3  }
0x94: {  	_ =	strace s2  }
0x95: {  	s2 =	sld [smem:$0x3FFD];
	_ =	sdelay $0x3  }
0x96: {  	_ =	strace s2  }
0x97: {  	_ =	strace $0x8FFFFFFF  }
0x98: {  	s18 =	sld [smem:$0x3FDB];
	_ =	sdelay $0x1  }
0x99: {  	s19 =	simm.s32 $_scs_section_size  }
0x9a: {  	s4 =	simm.s32 $_size__tile_overlayer_lowered;
	s5 =	simm.s32 $_tile_overlayer_lowered  }
0x9b: {  	s22 =	simm.s32 $0x1BFF;
	s21 =	sshll.u32 s5, $0x1;
	s2 =	sadd.s32 s19, s18  }
0x9c: {  	s6 =	simm.s32 $0x0;
	s20 =	sshll.u32 s4, $0x1;
	s4 =	sadd.s32 s21, s2  }
0x9d: {  	[timem:s6], [sflag:s22] =	dma.local [hbm:s4], s20  }
0x9e: {  	_ =	swait.ge [sflag:s22], s20  }
0x9f: {  	s3 =	ssub.s32 $0x0, s20;
	[sflag:s22] =	ssyncset.done $0x0  }
0xa0: {  	[sflag:s22] =	ssyncadd.s32 s3;
	_ =	sdelay $0x1  }
0xa1: {  	s23 =	simm.s32 $0x1B8B  }
0xa2: {  	_ =	swait.ge [sflag:s23], $0x1  }
0xa3: {  	[sflag:s23] =	ssyncset.done $0x0  }
0xa4: {  	s25 =	simm.s32 $0x1B8E;
	s24 =	sld [smem:$0x3FFE];
	[sflag:s23] =	ssyncadd.s32 $0xFFFFFFFF  }
0xa5: {  	s26 =	simm.s32 $execute0_lowered;
	[smem:$0x3FD2] =	sst s25  }
0xa6: {  	s4 =	sshll.u32 s26, $0x1;
	_ =	strace $0x8000004F;
	[dreg:$0x1] =	wrdreg $0xFFFFFFFF  }
0xa7: {  	s28 =	simm.s32 $_size_execute0_lowered;
	s2 =	sadd.s32 s2, s4;
	[dreg:$0x0] =	wrdreg $0x0  }
0xa8: {  	s4 =	sshll.u32 s28, $0x1;
	[dreg:$0x2] =	wrdreg s2  }
0xa9: {  	[dreg:$0x3] =	wrdreg s4  }
0xaa: {  	[dreg:$0x4] =	wrdreg $0xC0  }
0xab: {  	_ =	task [dreg:s6], $0x5FFFF  }
0xac: {  	[dreg:$0x1] =	wrdreg $0xFFFFFFFF  }
0xad: {  	[dreg:$0x0] =	wrdreg $0x60  }
0xae: {  	[dreg:$0x2] =	wrdreg s24  }
0xaf: {  	[dreg:$0x3] =	wrdreg $0xA0000  }
0xb0: {  	[dreg:$0x4] =	wrdreg $0x9  }
0xb1: {  	_ =	task.clear_ibuf [dreg:s6], $0x5FFFF;
	_ =	strace $0x9000004F  }
0xb2: {  	s29 =	simm.s32 $0x9;
	_ =	strace $0x80000051  }
0xb3: {  	_ =	swait.ge [sflag:s29], $0x1  }
0xb4: {  	[sflag:s29] =	ssyncadd.s32 $0xFFFFFFFF  }
0xb5: {  	_ =	strace $0x90000051  }
0xb6: {  	_ =	sfence  }
0xb7: {  	s30 =	sld [smem:$0x0];
	_ =	sdelay $0x2  }
0xb8: {  	s31 =	sshll.u32 s1, $0xD;
	s1 =	sshrl.u32 s1, $0x2  }
0xb9: {  	s3 =	sand.u32 $0x4000, s31;
	s1 =	sadd.s32 s1, s30  }
0xba: {  	s0 =	sor.u32 s3, s0;
	s1 =	sshll.u32 s1, $0x11  }
0xbb: {  	s0 =	sor.u32 s1, s0  }
0xbc: {  	s0 =	sadd.s32 $0x8F2B, s0  }
0xbd: {  	[sflag:s0] =	ssyncadd.remote.s32 $0x1  }
0xbe: {  	_ =	sfence.sel $0xFFFF  }
0xbf: {  	[dreg:$0x0] =	wrdreg $0xFFFFFFFF;
	(pc) =	sbr.abs _section_cstart, $3  }
0xc0: {  	[dreg:$0x1] =	wrdreg $0xFFFFFFFF  }
0xc1: {  	_ =	task.clear_ibuf [dreg:s6], $0x2FFFF;
	_ =	strace $0x9FFFFFFF  }
0xc2: {  	(tm) =	ssettm $0x7FFFFFFF  }
0xc3: {  	_ =	shalt  }
tec
execute0_lowered:
.L_overlay_start_1:
0x0: {  	(tag) =	ssettag $0x1  }
0x1: {  	s5 =	rddreg [dreg:$0x0]  }
0x2: {  	s0 =	srdreg.scid;
	s2 =	rddreg [dreg:$0x1]  }
0x3: {  	s1 =	rddreg [dreg:$0x2];
	s7 =	sand.u32 $0x1, s0  }
0x4: {  	s3 =	simm.s32 $0x0;
	s0 =	stileid.u32;
	s4 =	smul.u32 $0x30000, s7  }
0x5: {  	s15 =	simm.s32 $0x6000;
	s16 =	simm.s32 $0x1;
	s6 =	smul.u32 $0x3000, s0  }
0x6: {  	s17 =	simm.s32 $0x0;
	[smem:$0x7FF] =	sst s3;
	s28 =	smul.u32 $0x14000, s0  }
0x7: {  	s9 =	smul.u32 $0x140000, s7;
	_ =	strace $0x80000050;
	s29 =	ssub.s32 $0x2, s7  }
0x8: {  	s12 =	smul.u32 $0x50000, s0;
	p0 =	seq.s32 s7, $0x0;
	s7 =	simm.s32 $0x5F  }
0x9: {  	s31 =	sshll.u32 s0, $0x6;
	s11 =	sshrl.u32 s29, $0x1;
	s7 =	simm.s32 @!p0 $0x3E  }
0xa: {  	s4 =	sadd.s32 s6, s4;
	s10 =	sshrl.u32 s28, $0x3;
	s6 =	sadd.s32 s28, s9  }
0xb: {  	s11 =	ssub.s32 s29, s11;
	s30 =	sshrl.u32 s12, $0x2;
	s12 =	sor.u32 $0x1C02, s31  }
0xc: {  	s8 =	sshrl.u32 s4, $0x3;
	s4 =	sadd.s32 $0x9F200, s5;
	s6 =	sshrl.u32 s6, $0x3  }
0xd: {  	s10 =	sadd.s32 s10, s5;
	s14 =	sadd.s32 s30, s2;
	s8 =	sadd.s32 s8, s5  }
0xe: {  	s13 =	sadd.s32 s6, s5;
	s5 =	sadd.s32 $0x87200, s8;
	s6 =	sadd.s32 $0x93200, s8  }
0xf: {  	s8 =	sadd.s32 $0xEA00, s10;
	s9 =	sadd.s32 $0xC7200, s13;
	s10 =	smax.u32 s11, $0x1  }
0x10: {  	s11 =	simm.s32 $0x2;
	s13 =	sshrl.u32 s14, $0x3;
	s14 =	simm.s32 $0x80  }
.LBB2_1:
0x11: {  	[tilespmem:s3], [sflag:$0x2] =	stream.linear.gather [hbm4b:s5+s3], $0x2F80, $0x38;
	[tilespmem:$0x1E000] =	vst v63  }
0x12: {  	_ =	swait.ge [sflag:s11], $0x2F80  }
0x13: {  	[sflag:s11] =	ssyncset.done $0x0  }
0x14: {  	s18 =	simm.s32 $0x3000;
	[sflag:s11] =	ssyncadd.s32 $0xFFFFD080  }
0x15: {  	[tilespmem:s18], [sflag:$0x2] =	stream.linear.gather [hbm4b:s6+s3], $0x2F80, $0x38;
	[tilespmem:$0x1E000] =	vst v63  }
0x16: {  	_ =	swait.ge [sflag:s11], $0x2F80  }
0x17: {  	[sflag:s11] =	ssyncset.done $0x0  }
0x18: {  	[sflag:s11] =	ssyncadd.s32 $0xFFFFD080  }
0x19: {  	[spmem:s13], [sflag:s12] =	dma.local [hbm:s8], $0x2800  }
0x1a: {  	_ =	swait.ge [sflag:s11], $0x2800  }
0x1b: {  	[sflag:s11] =	ssyncset.done $0x0  }
0x1c: {  	[sflag:s11] =	ssyncadd.s32 $0xFFFFD800  }
0x1d: {  	[bflag:$0x0] =	sbarrier.arrive $0xFFFF  }
0x1e: {  	[tilespmem:s15], [sflag:$0x1] =	stream.indirect.gather [hbm4b:s4+s14], $0x80, s3, s14, $0xb8;
	[tilespmem:$0x1E000] =	vst v63  }
0x1f: {  	p0 =	sne.s32 s7, $0x1;
	_ =	swait.ge [sflag:s16], $0x4000  }
.Ltmp0:
0x20: {  	[sflag:s16] =	ssyncset.done $0x0;
	(pc) =	sbr.rel @!p0 .LBB2_3-.Ltmp0, $4  }
0x21: {  	[sflag:s16] =	ssyncadd.s32 $0xFFFFC000  }
0x22: {  	[spmem:s2] =	stream.indirect.scatter.add.f32 [tilespmem:s15], [sflag:$0x2], $0x80, s18, s14, $0xb8;
	[tilespmem:$0x1E000] =	vst v63  }
0x23: {  	_ =	swait.ge [sflag:s11], $0x4000  }
0x24: {  	s19 =	sadd.s32 $0xFFFFFFFF, s7;
	s20 =	simm.s32 $0x0;
	[sflag:s11] =	ssyncset.done $0x0  }
.LBB2_2:
0x25: {  	[sflag:s11] =	ssyncadd.s32 $0xFFFFC000;
	s20 =	sadd.s32 $0x80, s20;
	s18 =	sadd.s32 $0x80, s18  }
0x26: {  	[tilespmem:s15], [sflag:$0x1] =	stream.indirect.gather [hbm4b:s4+s14], $0x80, s20, s14, $0xb8;
	[tilespmem:$0x1E000] =	vst v63  }
0x27: {  	p0 =	sne.s32 s19, $0x1;
	s19 =	sadd.s32 $0xFFFFFFFF, s19;
	_ =	swait.ge [sflag:s16], $0x4000  }
.Ltmp1:
0x28: {  	[sflag:s16] =	ssyncset.done $0x0;
	(pc) =	sbr.rel @p0 .LBB2_2-.Ltmp1, $4  }
0x29: {  	[sflag:s16] =	ssyncadd.s32 $0xFFFFC000  }
0x2a: {  	[spmem:s2] =	stream.indirect.scatter.add.f32 [tilespmem:s15], [sflag:$0x2], $0x80, s18, s14, $0xb8;
	[tilespmem:$0x1E000] =	vst v63  }
0x2b: {  	_ =	swait.ge [sflag:s11], $0x4000  }
0x2c: {  	[sflag:s11] =	ssyncset.done $0x0  }
.LBB2_3:
0x2d: {  	s17 =	sadd.s32 $0x1, s17  }
0x2e: {  	[sflag:s11] =	ssyncadd.s32 $0xFFFFC000;
	p0 =	sne.s32 s17, s10  }
.Ltmp2:
0x2f: {  	[bflag:$0x0] =	sbarrier.arrive $0xFFFF;
	(pc) =	sbr.rel @p0 .LBB2_1-.Ltmp2, $4  }
0x30: {  	[hbm:s9], [sflag:s12] =	dma.local [spmem:s13], $0x2800  }
0x31: {  	_ =	swait.ge [sflag:s11], $0x2800  }
0x32: {  	[sflag:s11] =	ssyncset.done $0x0  }
0x33: {  	[sflag:s11] =	ssyncadd.s32 $0xFFFFD800  }
0x34: {  	_ =	sfence.sel $0x180000  }
0x35: {  	[bflag:$0x0] =	sbarrier.arrive $0xFFFF  }
0x36: {  	p0 =	sne.s32 s0, $0x0;
	_ =	strace $0x90000050  }
0x37: {  	s0 =	sadd.s32 @!p0 $0x100000, s1;
	[bflag:$0x2] =	sbarrier.arrive $0xFFFF  }
0x38: {  	[sflag:s0] =	ssyncadd.tile.s32 @!p0 $0x1;
	_ =	shalt  }
.Lfunc_end2:
_tile_overlayer_lowered:
.L_overlay_start_2:
0x39: {  	(tag) =	ssettag $0x2  }
0x3a: {  	s0 =	rddreg [dreg:$0x0];
	s2 =	stileid.u32  }
0x3b: {  	s1 =	rddreg [dreg:$0x1];
	p0 =	sne.s32 s2, $0x0  }
0x3c: {  	s3 =	rddreg [dreg:$0x2];
	[bflag:$0x3] =	sbarrier.arrive $0xFFFF;
	s2 =	simm.s32 @!p0 $0x1C02  }
0x3d: {  	[timem:s3], [sflag:s2] =	dma.local @!p0 [hbm:s0], s1  }
0x3e: {  	s0 =	simm.s32 @!p0 $0x2  }
0x3f: {  	_ =	swait.ge @!p0 [sflag:s0], s1  }
0x40: {  	s1 =	ssub.s32 @!p0 $0x0, s1;
	[sflag:s0] =	ssyncset.done @!p0 $0x0  }
0x41: {  	[sflag:s0] =	ssyncadd.s32 @!p0 s1  }
0x42: {  	[bflag:$0x3] =	sbarrier.arrive $0xFFFF  }
0x43: {  	_ =	shalt  }

</sc_bundles>
